<compile_context>
chip_gen: v7x
topology: tpu7x:2x2x1
jax: 0.10.2.dev20260603
libtpu: 0.0.44.dev20260713+nightly
codegen_flags: <defaults>
</compile_context>

<pallas_src>
import functools
import math

import jax
import jax.numpy as jnp
import numpy as np
from jax import lax
from jax.experimental import pallas as pl
from jax.experimental.pallas import tpu as pltpu
from jax.experimental.pallas import tpu_sc as plsc

F32 = jnp.float32
NB = 32
NF = 32
CUTOFF = 5.0
_BINOM_NP = np.array([math.comb(NB - 1, k) for k in range(NB)], dtype=np.float32).reshape(1, NB)
_KS_NP = np.arange(NB, dtype=np.float32).reshape(1, NB)

_NC = 2
_NS = 16
_K = 128


def _sc_mesh():
    return plsc.VectorSubcoreMesh(core_axis_name="c", subcore_axis_name="s")


_SC_PARAMS = pltpu.CompilerParams(use_tc_tiling_on_sc=False)


def _sc_gather3(pos8, x0, src, dst):
    E = src.shape[0]
    steps = E // _K
    spw, rem = steps // (_NC * _NS), steps % (_NC * _NS)

    @functools.partial(
        pl.kernel, mesh=_sc_mesh(), compiler_params=_SC_PARAMS,
        out_type=(jax.ShapeDtypeStruct((E, 8), F32),
                  jax.ShapeDtypeStruct((E, 8), F32),
                  jax.ShapeDtypeStruct((E, NF), F32)),
        scratch_types=[pltpu.VMEM((_K,), jnp.int32), pltpu.VMEM((_K,), jnp.int32),
                       pltpu.VMEM((_K, 8), F32), pltpu.VMEM((_K, 8), F32),
                       pltpu.VMEM((_K, NF), F32)],
    )
    def k(pos8_h, x0_h, src_h, dst_h, ps_h, pd_h, xs_h, si_v, di_v, ps_v, pd_v, xs_v):
        w = lax.axis_index("c") * _NS + lax.axis_index("s")
        start = w * spw + jnp.minimum(w, rem)
        cnt = spw + jnp.where(w < rem, 1, 0)

        def body(i, carry):
            o = pl.multiple_of((start + i) * _K, _K)
            pltpu.sync_copy(src_h.at[pl.ds(o, _K)], si_v)
            pltpu.sync_copy(dst_h.at[pl.ds(o, _K)], di_v)
            pltpu.sync_copy(pos8_h.at[si_v], ps_v)
            pltpu.sync_copy(pos8_h.at[di_v], pd_v)
            pltpu.sync_copy(x0_h.at[si_v], xs_v)
            pltpu.sync_copy(ps_v, ps_h.at[pl.ds(o, _K)])
            pltpu.sync_copy(pd_v, pd_h.at[pl.ds(o, _K)])
            pltpu.sync_copy(xs_v, xs_h.at[pl.ds(o, _K)])
            return carry

        lax.fori_loop(0, cnt, body, 0)

    return k(pos8, x0, src, dst)


def _sc_gather1(table, idx):
    E = idx.shape[0]
    steps = E // _K
    spw, rem = steps // (_NC * _NS), steps % (_NC * _NS)

    @functools.partial(
        pl.kernel, mesh=_sc_mesh(), compiler_params=_SC_PARAMS,
        out_type=jax.ShapeDtypeStruct((E, NF), F32),
        scratch_types=[pltpu.VMEM((_K,), jnp.int32), pltpu.VMEM((_K, NF), F32)],
    )
    def k(tab_h, idx_h, out_h, i_v, row_v):
        w = lax.axis_index("c") * _NS + lax.axis_index("s")
        start = w * spw + jnp.minimum(w, rem)
        cnt = spw + jnp.where(w < rem, 1, 0)

        def body(i, carry):
            o = pl.multiple_of((start + i) * _K, _K)
            pltpu.sync_copy(idx_h.at[pl.ds(o, _K)], i_v)
            pltpu.sync_copy(tab_h.at[i_v], row_v)
            pltpu.sync_copy(row_v, out_h.at[pl.ds(o, _K)])
            return carry

        lax.fori_loop(0, cnt, body, 0)

    return k(table, idx)


def _sc_scatter(vals, dst, zeros, n_nodes):
    E = vals.shape[0]
    steps = E // _K
    csteps = steps // _NC
    spw, rem = csteps // _NS, csteps % _NS
    rows_per_tile = n_nodes // _NS

    @functools.partial(
        pl.kernel, mesh=_sc_mesh(), compiler_params=_SC_PARAMS,
        out_type=jax.ShapeDtypeStruct((_NC, n_nodes, NF), F32),
        scratch_types=[pltpu.VMEM_SHARED((n_nodes, NF), F32),
                       pltpu.VMEM((_K,), jnp.int32), pltpu.VMEM((_K, NF), F32)],
    )
    def k(vals_h, dst_h, zeros_h, out_h, acc, di_v, val_v):
        cid = lax.axis_index("c")
        sid = lax.axis_index("s")
        pltpu.sync_copy(zeros_h, acc.at[pl.ds(sid * rows_per_tile, rows_per_tile)])
        plsc.subcore_barrier()
        start = cid * csteps + sid * spw + jnp.minimum(sid, rem)
        cnt = spw + jnp.where(sid < rem, 1, 0)

        def body(i, carry):
            o = pl.multiple_of((start + i) * _K, _K)
            pltpu.sync_copy(dst_h.at[pl.ds(o, _K)], di_v)
            pltpu.sync_copy(vals_h.at[pl.ds(o, _K)], val_v)
            pltpu.sync_copy(val_v, acc.at[di_v], add=True)
            return carry

        lax.fori_loop(0, cnt, body, 0)
        plsc.subcore_barrier()
        pltpu.sync_copy(acc.at[pl.ds(sid * rows_per_tile, rows_per_tile)],
                        out_h.at[cid, pl.ds(sid * rows_per_tile, rows_per_tile)])

    return k(vals, dst, zeros)


_BITS_NP = np.stack([((np.arange(NB) >> b) & 1).astype(np.bool_) for b in range(5)]).reshape(5, 1, NB)


def _rad_weights(r, b, bits):
    t = jnp.clip(r / (r + 1.0), 1e-6, 1.0 - 1e-6)
    tt = t
    uu = 1.0 - t
    acc = b
    for bb in range(5):
        acc = acc * jnp.where(bits[bb], tt, uu)
        if bb < 4:
            tt = tt * tt
            uu = uu * uu
    u = r * (1.0 / CUTOFF)
    m = u < 1.0
    us = jnp.where(m, u, 0.0)
    cut = jnp.where(m, jnp.exp(1.0 - 1.0 / (1.0 - us * us + 1e-12)), 0.0)
    return acc * cut


_EBLK = 1280


def _edge1(ps, pd, xs, w_mp, binom, ks):
    E = ps.shape[0]
    grid = E // _EBLK

    def body(ps_ref, pd_ref, xs_ref, w_ref, b_ref, k_ref, cx_ref, r_ref):
        d = ps_ref[...] - pd_ref[...]
        r = jnp.sqrt(jnp.sum(d * d, axis=1, keepdims=True) + 1e-12)
        rad = _rad_weights(r, b_ref[...], k_ref[...] != 0)
        c = jnp.dot(rad, w_ref[...], preferred_element_type=F32)
        cx_ref[...] = c * xs_ref[...]
        r_ref[...] = r

    return pl.pallas_call(
        body, grid=(grid,),
        in_specs=[pl.BlockSpec((_EBLK, 8), lambda i: (i, 0)),
                  pl.BlockSpec((_EBLK, 8), lambda i: (i, 0)),
                  pl.BlockSpec((_EBLK, NF), lambda i: (i, 0)),
                  pl.BlockSpec((NB, NF), lambda i: (0, 0)),
                  pl.BlockSpec((1, NB), lambda i: (0, 0)),
                  pl.BlockSpec((5, 1, NB), lambda i: (0, 0, 0))],
        out_specs=[pl.BlockSpec((_EBLK, NF), lambda i: (i, 0)),
                   pl.BlockSpec((_EBLK, 1), lambda i: (i, 0))],
        out_shape=[jax.ShapeDtypeStruct((E, NF), F32),
                   jax.ShapeDtypeStruct((E, 1), F32)],
    )(ps, pd, xs, w_mp, binom, ks)


def _edge2(r, xs1, w_mp, binom, ks):
    E = r.shape[0]
    grid = E // _EBLK

    def body(r_ref, xs_ref, w_ref, b_ref, k_ref, cx_ref):
        rad = _rad_weights(r_ref[...], b_ref[...], k_ref[...] != 0)
        c = jnp.dot(rad, w_ref[...], preferred_element_type=F32)
        cx_ref[...] = c * xs_ref[...]

    return pl.pallas_call(
        body, grid=(grid,),
        in_specs=[pl.BlockSpec((_EBLK, 1), lambda i: (i, 0)),
                  pl.BlockSpec((_EBLK, NF), lambda i: (i, 0)),
                  pl.BlockSpec((NB, NF), lambda i: (0, 0)),
                  pl.BlockSpec((1, NB), lambda i: (0, 0)),
                  pl.BlockSpec((5, 1, NB), lambda i: (0, 0, 0))],
        out_specs=pl.BlockSpec((_EBLK, NF), lambda i: (i, 0)),
        out_shape=jax.ShapeDtypeStruct((E, NF), F32),
    )(r, xs1, w_mp, binom, ks)


_NBLK = 1000


def _embed(z2, table):
    N = z2.shape[0]
    grid = N // _NBLK

    def body(z_ref, t_ref, x0_ref):
        oh = (z_ref[...] == lax.broadcasted_iota(jnp.int32, (_NBLK, 128), 1)).astype(F32)
        x0_ref[...] = jnp.dot(oh, t_ref[...], preferred_element_type=F32)

    return pl.pallas_call(
        body, grid=(grid,),
        in_specs=[pl.BlockSpec((_NBLK, 1), lambda i: (i, 0)),
                  pl.BlockSpec((128, NF), lambda i: (0, 0))],
        out_specs=pl.BlockSpec((_NBLK, NF), lambda i: (i, 0)),
        out_shape=jax.ShapeDtypeStruct((N, NF), F32),
    )(z2, table)


def _node_a(x0, yp, w1, w2):
    N = x0.shape[0]
    grid = N // _NBLK

    def body(x0_ref, yp_ref, w1_ref, w2_ref, x1_ref):
        y = x0_ref[...] + yp_ref[0] + yp_ref[1]
        s = jnp.dot(y, w1_ref[...], preferred_element_type=F32)
        x1_ref[...] = jnp.dot(jax.nn.silu(s), w2_ref[...], preferred_element_type=F32)

    return pl.pallas_call(
        body, grid=(grid,),
        in_specs=[pl.BlockSpec((_NBLK, NF), lambda i: (i, 0)),
                  pl.BlockSpec((2, _NBLK, NF), lambda i: (0, i, 0)),
                  pl.BlockSpec((NF, NF), lambda i: (0, 0)),
                  pl.BlockSpec((NF, NF), lambda i: (0, 0))],
        out_specs=pl.BlockSpec((_NBLK, NF), lambda i: (i, 0)),
        out_shape=jax.ShapeDtypeStruct((N, NF), F32),
    )(x0, yp, w1, w2)


def _node_b(x1, y0p, w1, w2, wo, seg2, num_graphs):
    N = x1.shape[0]
    grid = N // _NBLK

    def body(x1_ref, yp_ref, w1_ref, w2_ref, wo_ref, seg_ref, out_ref):
        i = pl.program_id(0)
        h = x1_ref[...] + yp_ref[0] + yp_ref[1]
        h = jax.nn.silu(jnp.dot(h, w1_ref[...], preferred_element_type=F32))
        h = jnp.dot(h, w2_ref[...], preferred_element_type=F32)
        ae = jnp.sum(h * wo_ref[...], axis=1, keepdims=True)
        g = lax.broadcasted_iota(jnp.int32, (_NBLK, num_graphs), 1)
        contrib = jnp.sum(jnp.where(seg_ref[...] == g, ae, 0.0), axis=0, keepdims=True)

        @pl.when(i == 0)
        def _():
            out_ref[...] = jnp.zeros_like(out_ref)

        out_ref[...] += contrib

    return pl.pallas_call(
        body, grid=(grid,),
        in_specs=[pl.BlockSpec((_NBLK, NF), lambda i: (i, 0)),
                  pl.BlockSpec((2, _NBLK, NF), lambda i: (0, i, 0)),
                  pl.BlockSpec((NF, NF), lambda i: (0, 0)),
                  pl.BlockSpec((NF, NF), lambda i: (0, 0)),
                  pl.BlockSpec((1, NF), lambda i: (0, 0)),
                  pl.BlockSpec((_NBLK, 1), lambda i: (i, 0))],
        out_specs=pl.BlockSpec((1, num_graphs), lambda i: (0, 0)),
        out_shape=jax.ShapeDtypeStruct((1, num_graphs), F32),
    )(x1, y0p, w1, w2, wo, seg2)


def kernel(atomic_numbers, positions, atomic_dipoles, dst_idx, src_idx,
           batch_segments, graph_mask, embed_table, W_mp1, W1a, W2a,
           W_mp2, W1b, W2b, w_out):
    del atomic_dipoles
    N = positions.shape[0]
    G = graph_mask.shape[0]
    src = src_idx.astype(jnp.int32)
    dst = dst_idx.astype(jnp.int32)
    pos8 = jnp.pad(positions.astype(F32), ((0, 0), (0, 5)))
    z2 = atomic_numbers.astype(jnp.int32).reshape(N, 1)
    seg2 = batch_segments.astype(jnp.int32).reshape(N, 1)
    tab = jnp.pad(embed_table.astype(F32), ((0, 128 - embed_table.shape[0]), (0, 0)))
    zeros = jnp.zeros((N // _NS, NF), F32)
    binom = jnp.asarray(_BINOM_NP)
    ks = jnp.asarray(_BITS_NP.astype(np.int32))

    x0 = _embed(z2, tab)
    ps, pd, xs = _sc_gather3(pos8, x0, src, dst)
    cx, r = _edge1(ps, pd, xs, W_mp1, binom, ks)
    yp = _sc_scatter(cx, dst, zeros, N)
    x1 = _node_a(x0, yp, W1a, W2a)
    xs1 = _sc_gather1(x1, src)
    cx2 = _edge2(r, xs1, W_mp2, binom, ks)
    y0p = _sc_scatter(cx2, dst, zeros, N)
    eacc = _node_b(x1, y0p, W1b, W2b, w_out.reshape(1, NF), seg2, G)
    return jnp.where(graph_mask, eacc.reshape(G), jnp.zeros((G,), F32))

# --- scband reference (transcript-rebuilt; emitter-appended) ---
"""Pipeline reference for scband-energy-model-36326833389926 (READ-ONLY COPY).

The authoritative reference and input builder live on the scoring server;
editing this copy changes nothing except your own understanding.
"""

import jax, jax.numpy as jnp
import numpy as np
import math

N_NODES = 50000
N_EDGES = 800000
NUM_FEATURES = 32
NUM_BASIS = 32
NUM_GRAPHS = 64
ZMAX = 118
CUTOFF = 5.0

_BINOM = np.array([math.comb(NUM_BASIS - 1, k) for k in range(NUM_BASIS)], dtype=np.float32)
_KS = np.arange(NUM_BASIS, dtype=np.float32)


def _radial_basis(r):
    # reciprocal Bernstein radial basis: map r -> t in [0,1) via t = r/(r+1)
    t = r / (r + 1.0)
    t = jnp.clip(t, 1e-6, 1.0 - 1e-6)
    n = float(NUM_BASIS - 1)
    return _BINOM[None, :] * t[:, None] ** _KS[None, :] * (1.0 - t[:, None]) ** (n - _KS)[None, :]


def _smooth_cutoff(r, cutoff):
    u = r / cutoff
    mask = u < 1.0
    u_safe = jnp.where(mask, u, 0.0)
    return jnp.where(mask, jnp.exp(1.0 - 1.0 / (1.0 - u_safe ** 2 + 1e-12)), 0.0)


def setup_inputs(seed: int = 0) -> dict:
    key = jax.random.key(seed)
    ks = jax.random.split(key, 16)
    F, B = NUM_FEATURES, NUM_BASIS
    atomic_numbers = jax.random.randint(ks[0], (N_NODES,), 0, ZMAX)
    positions = jax.random.normal(ks[1], (N_NODES, 3), dtype=jnp.float32)
    atomic_dipoles = jax.random.normal(ks[2], (N_NODES, 3), dtype=jnp.float32)
    dst_idx = jax.random.randint(ks[3], (N_EDGES,), 0, N_NODES)
    src_idx = jax.random.randint(ks[4], (N_EDGES,), 0, N_NODES)
    batch_segments = jnp.sort(jax.random.randint(ks[5], (N_NODES,), 0, NUM_GRAPHS))
    graph_mask = jnp.ones((NUM_GRAPHS,), dtype=bool)
    embed_table = jax.random.normal(ks[6], (ZMAX, F), dtype=jnp.float32) * 0.1
    W_mp1 = jax.random.normal(ks[7], (B, F), dtype=jnp.float32) / np.sqrt(B)
    W1a = jax.random.normal(ks[8], (F, F), dtype=jnp.float32) / np.sqrt(F)
    W2a = jax.random.normal(ks[9], (F, F), dtype=jnp.float32) / np.sqrt(F)
    W_mp2 = jax.random.normal(ks[10], (B, F), dtype=jnp.float32) / np.sqrt(B)
    W1b = jax.random.normal(ks[11], (F, F), dtype=jnp.float32) / np.sqrt(F)
    W2b = jax.random.normal(ks[12], (F, F), dtype=jnp.float32) / np.sqrt(F)
    w_out = jax.random.normal(ks[13], (F,), dtype=jnp.float32) / np.sqrt(F)
    return {
        'atomic_numbers': atomic_numbers, 'positions': positions,
        'atomic_dipoles': atomic_dipoles, 'dst_idx': dst_idx, 'src_idx': src_idx,
        'batch_segments': batch_segments, 'graph_mask': graph_mask,
        'embed_table': embed_table, 'W_mp1': W_mp1, 'W1a': W1a, 'W2a': W2a,
        'W_mp2': W_mp2, 'W1b': W1b, 'W2b': W2b, 'w_out': w_out,
    }


def reference(atomic_numbers, positions, atomic_dipoles, dst_idx, src_idx,
              batch_segments, graph_mask, embed_table, W_mp1, W1a, W2a,
              W_mp2, W1b, W2b, w_out):
    num_nodes = atomic_numbers.shape[0]
    # pairwise displacements (gather_src - gather_dst)
    disp = positions[src_idx] - positions[dst_idx]
    r = jnp.sqrt(jnp.sum(disp ** 2, axis=-1) + 1e-12)
    nvec = disp / r[:, None]
    rad = _radial_basis(r) * _smooth_cutoff(r, CUTOFF)[:, None]  # [E, B]
    # spherical harmonics up to degree 1: [Y00, x, y, z]
    sph = jnp.concatenate([jnp.ones((nvec.shape[0], 1), nvec.dtype), nvec], axis=-1)  # [E, 4]
    # atomic number embedding (degree-0 channel)
    x0 = embed_table[atomic_numbers]  # [N, F]
    x = jnp.zeros((num_nodes, 4, NUM_FEATURES), jnp.float32).at[:, 0, :].set(x0)
    # ---- iteration 0: message passing up to max_degree=1 ----
    c = rad @ W_mp1                                   # [E, F]
    msg = sph[:, :, None] * (c * x[src_idx, 0])[:, None, :]  # [E, 4, F]
    y = jax.ops.segment_sum(msg, dst_idx, num_segments=num_nodes)  # [N, 4, F]
    y = x + y
    y = jnp.einsum('naf,fg->nag', y, W1a)
    s = y[:, :1, :]
    y = jnp.concatenate([jax.nn.silu(s), y[:, 1:, :] * jax.nn.sigmoid(s)], axis=1)
    y = jnp.einsum('naf,fg->nag', y, W2a)
    x = y
    # ---- iteration 1 (last): max_degree=0 ----
    c2 = rad @ W_mp2                                  # [E, F]
    msg0 = c2 * x[src_idx, 0]                         # [E, F]
    y0 = jax.ops.segment_sum(msg0, dst_idx, num_segments=num_nodes)  # [N, F]
    h = x[:, 0, :] + y0
    h = h @ W1b
    h = jax.nn.silu(h)
    h = h @ W2b
    atomic_energy = h @ w_out                          # [N]
    energy = jax.ops.segment_sum(atomic_energy, batch_segments, num_segments=graph_mask.shape[0])
    return jnp.where(graph_mask, energy, 0.0)

if __name__ == "__main__":
    import jax
    _d = setup_inputs()
    print(jax.jit(kernel)(*tuple(_d.values())))

</pallas_src>

<mosaic_0001>
#map = affine_map<(d0, d1) -> (0, 0)>
#map1 = affine_map<(d0, d1) -> (0)>
module attributes {stable_mosaic.version = 14 : i64} {
  func.func @k(%arg0: i32, %arg1: i32, %arg2: memref<50000x8xf32, #tpu.memory_space<hbm>>, %arg3: memref<50000x32xf32, #tpu.memory_space<hbm>>, %arg4: memref<800000xi32, #tpu.memory_space<hbm>>, %arg5: memref<800000xi32, #tpu.memory_space<hbm>>, %arg6: memref<800000x8xf32, #tpu.memory_space<hbm>>, %arg7: memref<800000x8xf32, #tpu.memory_space<hbm>>, %arg8: memref<800000x32xf32, #tpu.memory_space<hbm>>, %arg9: memref<128xi32, #tpu.memory_space<vmem>>, %arg10: memref<128xi32, #tpu.memory_space<vmem>>, %arg11: memref<128x8xf32, #tpu.memory_space<vmem>>, %arg12: memref<128x8xf32, #tpu.memory_space<vmem>>, %arg13: memref<128x32xf32, #tpu.memory_space<vmem>>) attributes {dimension_semantics = [#tpu.dimension_semantics<core_parallel>, #tpu.dimension_semantics<subcore_parallel>], iteration_bounds = array<i64: 2, 16>, scalar_prefetch = 0 : i64, scratch_operands = 5 : i64, tpu.core_type = #tpu.core_type<sc_vector_subcore>, window_params = [{transform_indices = #map}, {transform_indices = #map}, {transform_indices = #map1}, {transform_indices = #map1}, {transform_indices = #map}, {transform_indices = #map}, {transform_indices = #map}]} {
    %mul3A = arith.constant 16 : i32
    %mul3A_0 = arith.muli %arg0, %mul3A : i32
    %add3A = arith.addi %mul3A_0, %arg1 : i32
    %mul3A_1 = arith.constant 195 : i32
    %mul3A_2 = arith.muli %add3A, %mul3A_1 : i32
    %min3A = arith.constant 10 : i32
    %min3A_3 = arith.minsi %add3A, %min3A : i32
    %add3A_4 = arith.addi %mul3A_2, %min3A_3 : i32
    %lt3A = arith.constant 10 : i32
    %lt3A_5 = arith.cmpi slt, %add3A, %lt3A : i32
    %jit3A = arith.constant 1 : i32
    %jit3A_6 = arith.constant 0 : i32
    %select_n3A = arith.select %lt3A_5, %jit3A, %jit3A_6 : i32
    %add3A_7 = arith.constant 195 : i32
    %add3A_8 = arith.addi %add3A_7, %select_n3A : i32
    %while3A = arith.constant 0 : i32
    %while3A_9 = arith.constant 0 : i32
    %while3A_10 = arith.subi %add3A_8, %while3A_9 : i32
    %while3A_11 = arith.addi %while3A_9, %while3A_10 : i32
    %while3A_12 = arith.constant 1 : i32
    %while3A_13 = arith.divsi %while3A_10, %while3A_12 : i32
    %while3A_14 = arith.muli %while3A_13, %while3A_12 : i32
    %while3A_15 = arith.addi %while3A_9, %while3A_14 : i32
    %while3A_16 = arith.constant 1 : i32
    scf.for %while3A_18 = %while3A_9 to %while3A_15 step %while3A_16  : i32 {
      %add3A_19 = arith.addi %add3A_4, %while3A_18 : i32
      %mul3A_20 = arith.constant 128 : i32
      %mul3A_21 = arith.muli %add3A_19, %mul3A_20 : i32
      %multiple_of3A = tpu.assume_multiple %mul3A_21, 128 : i32
      "tpu.region"() ({
        %run_scoped3A = tpu.sem_alloc : memref<!tpu.dma_semaphore, #tpu.memory_space<semaphore_mem>>
        %dma_start3A = tpu.memref_slice %arg4[%multiple_of3A] : memref<800000xi32, #tpu.memory_space<hbm>> -> memref<128xi32, #tpu.memory_space<hbm>>
        %dma_start3A_22 = tpu.memref_slice %arg4[%multiple_of3A] : memref<800000xi32, #tpu.memory_space<hbm>> -> memref<128xi32, #tpu.memory_space<hbm>>
        tpu.enqueue_dma source(%dma_start3A_22 : memref<128xi32, #tpu.memory_space<hbm>>) target(%arg9 : memref<128xi32, #tpu.memory_space<vmem>>) target_semaphore(%run_scoped3A : memref<!tpu.dma_semaphore, #tpu.memory_space<semaphore_mem>>)
        %dma_wait3A = tpu.memref_slice %arg4[%multiple_of3A] : memref<800000xi32, #tpu.memory_space<hbm>> -> memref<128xi32, #tpu.memory_space<hbm>>
        %dma_wait3A_23 = tpu.memref_slice %arg4[%multiple_of3A] : memref<800000xi32, #tpu.memory_space<hbm>> -> memref<128xi32, #tpu.memory_space<hbm>>
        tpu.wait_dma2 semaphore(%run_scoped3A : memref<!tpu.dma_semaphore, #tpu.memory_space<semaphore_mem>>) src(%dma_wait3A_23 : memref<128xi32, #tpu.memory_space<hbm>>) dst(%arg9 : memref<128xi32, #tpu.memory_space<vmem>>)
        tpu.yield
      }) : () -> ()
      "tpu.region"() ({
        %run_scoped3A = tpu.sem_alloc : memref<!tpu.dma_semaphore, #tpu.memory_space<semaphore_mem>>
        %dma_start3A = tpu.memref_slice %arg5[%multiple_of3A] : memref<800000xi32, #tpu.memory_space<hbm>> -> memref<128xi32, #tpu.memory_space<hbm>>
        %dma_start3A_22 = tpu.memref_slice %arg5[%multiple_of3A] : memref<800000xi32, #tpu.memory_space<hbm>> -> memref<128xi32, #tpu.memory_space<hbm>>
        tpu.enqueue_dma source(%dma_start3A_22 : memref<128xi32, #tpu.memory_space<hbm>>) target(%arg10 : memref<128xi32, #tpu.memory_space<vmem>>) target_semaphore(%run_scoped3A : memref<!tpu.dma_semaphore, #tpu.memory_space<semaphore_mem>>)
        %dma_wait3A = tpu.memref_slice %arg5[%multiple_of3A] : memref<800000xi32, #tpu.memory_space<hbm>> -> memref<128xi32, #tpu.memory_space<hbm>>
        %dma_wait3A_23 = tpu.memref_slice %arg5[%multiple_of3A] : memref<800000xi32, #tpu.memory_space<hbm>> -> memref<128xi32, #tpu.memory_space<hbm>>
        tpu.wait_dma2 semaphore(%run_scoped3A : memref<!tpu.dma_semaphore, #tpu.memory_space<semaphore_mem>>) src(%dma_wait3A_23 : memref<128xi32, #tpu.memory_space<hbm>>) dst(%arg10 : memref<128xi32, #tpu.memory_space<vmem>>)
        tpu.yield
      }) : () -> ()
      "tpu.region"() ({
        %run_scoped3A = tpu.sem_alloc : memref<!tpu.dma_semaphore, #tpu.memory_space<semaphore_mem>>
        %dma_start3A = arith.constant 0 : i32
        %dma_start3A_22 = arith.constant 0 : i32
        %dma_start3A_23 = tpu.memref_slice %arg2[%dma_start3A, %dma_start3A_22] : memref<50000x8xf32, #tpu.memory_space<hbm>> -> memref<50000x8xf32, #tpu.memory_space<hbm>>
        tpu.enqueue_indirect_dma source(%dma_start3A_23 : memref<50000x8xf32, #tpu.memory_space<hbm>>) target(%arg11 : memref<128x8xf32, #tpu.memory_space<vmem>>) offsets(%arg9 : memref<128xi32, #tpu.memory_space<vmem>>) semaphore(%run_scoped3A : memref<!tpu.dma_semaphore, #tpu.memory_space<semaphore_mem>>)
        %dma_wait3A = arith.constant 0 : i32
        %dma_wait3A_24 = arith.constant 0 : i32
        %dma_wait3A_25 = tpu.memref_slice %arg2[%dma_wait3A, %dma_wait3A_24] : memref<50000x8xf32, #tpu.memory_space<hbm>> -> memref<50000x8xf32, #tpu.memory_space<hbm>>
        tpu.wait_indirect_dma semaphore(%run_scoped3A : memref<!tpu.dma_semaphore, #tpu.memory_space<semaphore_mem>>) src(%dma_wait3A_25 : memref<50000x8xf32, #tpu.memory_space<hbm>>) dst(%arg11 : memref<128x8xf32, #tpu.memory_space<vmem>>)
        tpu.yield
      }) : () -> ()
      "tpu.region"() ({
        %run_scoped3A = tpu.sem_alloc : memref<!tpu.dma_semaphore, #tpu.memory_space<semaphore_mem>>
        %dma_start3A = arith.constant 0 : i32
        %dma_start3A_22 = arith.constant 0 : i32
        %dma_start3A_23 = tpu.memref_slice %arg2[%dma_start3A, %dma_start3A_22] : memref<50000x8xf32, #tpu.memory_space<hbm>> -> memref<50000x8xf32, #tpu.memory_space<hbm>>
        tpu.enqueue_indirect_dma source(%dma_start3A_23 : memref<50000x8xf32, #tpu.memory_space<hbm>>) target(%arg12 : memref<128x8xf32, #tpu.memory_space<vmem>>) offsets(%arg10 : memref<128xi32, #tpu.memory_space<vmem>>) semaphore(%run_scoped3A : memref<!tpu.dma_semaphore, #tpu.memory_space<semaphore_mem>>)
        %dma_wait3A = arith.constant 0 : i32
        %dma_wait3A_24 = arith.constant 0 : i32
        %dma_wait3A_25 = tpu.memref_slice %arg2[%dma_wait3A, %dma_wait3A_24] : memref<50000x8xf32, #tpu.memory_space<hbm>> -> memref<50000x8xf32, #tpu.memory_space<hbm>>
        tpu.wait_indirect_dma semaphore(%run_scoped3A : memref<!tpu.dma_semaphore, #tpu.memory_space<semaphore_mem>>) src(%dma_wait3A_25 : memref<50000x8xf32, #tpu.memory_space<hbm>>) dst(%arg12 : memref<128x8xf32, #tpu.memory_space<vmem>>)
        tpu.yield
      }) : () -> ()
      "tpu.region"() ({
        %run_scoped3A = tpu.sem_alloc : memref<!tpu.dma_semaphore, #tpu.memory_space<semaphore_mem>>
        %dma_start3A = arith.constant 0 : i32
        %dma_start3A_22 = arith.constant 0 : i32
        %dma_start3A_23 = tpu.memref_slice %arg3[%dma_start3A, %dma_start3A_22] : memref<50000x32xf32, #tpu.memory_space<hbm>> -> memref<50000x32xf32, #tpu.memory_space<hbm>>
        tpu.enqueue_indirect_dma source(%dma_start3A_23 : memref<50000x32xf32, #tpu.memory_space<hbm>>) target(%arg13 : memref<128x32xf32, #tpu.memory_space<vmem>>) offsets(%arg9 : memref<128xi32, #tpu.memory_space<vmem>>) semaphore(%run_scoped3A : memref<!tpu.dma_semaphore, #tpu.memory_space<semaphore_mem>>)
        %dma_wait3A = arith.constant 0 : i32
        %dma_wait3A_24 = arith.constant 0 : i32
        %dma_wait3A_25 = tpu.memref_slice %arg3[%dma_wait3A, %dma_wait3A_24] : memref<50000x32xf32, #tpu.memory_space<hbm>> -> memref<50000x32xf32, #tpu.memory_space<hbm>>
        tpu.wait_indirect_dma semaphore(%run_scoped3A : memref<!tpu.dma_semaphore, #tpu.memory_space<semaphore_mem>>) src(%dma_wait3A_25 : memref<50000x32xf32, #tpu.memory_space<hbm>>) dst(%arg13 : memref<128x32xf32, #tpu.memory_space<vmem>>)
        tpu.yield
      }) : () -> ()
      "tpu.region"() ({
        %run_scoped3A = tpu.sem_alloc : memref<!tpu.dma_semaphore, #tpu.memory_space<semaphore_mem>>
        %dma_start3A = arith.constant 0 : i32
        %dma_start3A_22 = tpu.memref_slice %arg6[%multiple_of3A, %dma_start3A] : memref<800000x8xf32, #tpu.memory_space<hbm>> -> memref<128x8xf32, #tpu.memory_space<hbm>>
        %dma_start3A_23 = arith.constant 0 : i32
        %dma_start3A_24 = tpu.memref_slice %arg6[%multiple_of3A, %dma_start3A_23] : memref<800000x8xf32, #tpu.memory_space<hbm>> -> memref<128x8xf32, #tpu.memory_space<hbm>>
        tpu.enqueue_dma source(%arg11 : memref<128x8xf32, #tpu.memory_space<vmem>>) target(%dma_start3A_24 : memref<128x8xf32, #tpu.memory_space<hbm>>) target_semaphore(%run_scoped3A : memref<!tpu.dma_semaphore, #tpu.memory_space<semaphore_mem>>)
        %dma_wait3A = arith.constant 0 : i32
        %dma_wait3A_25 = tpu.memref_slice %arg6[%multiple_of3A, %dma_wait3A] : memref<800000x8xf32, #tpu.memory_space<hbm>> -> memref<128x8xf32, #tpu.memory_space<hbm>>
        %dma_wait3A_26 = arith.constant 0 : i32
        %dma_wait3A_27 = tpu.memref_slice %arg6[%multiple_of3A, %dma_wait3A_26] : memref<800000x8xf32, #tpu.memory_space<hbm>> -> memref<128x8xf32, #tpu.memory_space<hbm>>
        tpu.wait_dma2 semaphore(%run_scoped3A : memref<!tpu.dma_semaphore, #tpu.memory_space<semaphore_mem>>) src(%arg11 : memref<128x8xf32, #tpu.memory_space<vmem>>) dst(%dma_wait3A_27 : memref<128x8xf32, #tpu.memory_space<hbm>>)
        tpu.yield
      }) : () -> ()
      "tpu.region"() ({
        %run_scoped3A = tpu.sem_alloc : memref<!tpu.dma_semaphore, #tpu.memory_space<semaphore_mem>>
        %dma_start3A = arith.constant 0 : i32
        %dma_start3A_22 = tpu.memref_slice %arg7[%multiple_of3A, %dma_start3A] : memref<800000x8xf32, #tpu.memory_space<hbm>> -> memref<128x8xf32, #tpu.memory_space<hbm>>
        %dma_start3A_23 = arith.constant 0 : i32
        %dma_start3A_24 = tpu.memref_slice %arg7[%multiple_of3A, %dma_start3A_23] : memref<800000x8xf32, #tpu.memory_space<hbm>> -> memref<128x8xf32, #tpu.memory_space<hbm>>
        tpu.enqueue_dma source(%arg12 : memref<128x8xf32, #tpu.memory_space<vmem>>) target(%dma_start3A_24 : memref<128x8xf32, #tpu.memory_space<hbm>>) target_semaphore(%run_scoped3A : memref<!tpu.dma_semaphore, #tpu.memory_space<semaphore_mem>>)
        %dma_wait3A = arith.constant 0 : i32
        %dma_wait3A_25 = tpu.memref_slice %arg7[%multiple_of3A, %dma_wait3A] : memref<800000x8xf32, #tpu.memory_space<hbm>> -> memref<128x8xf32, #tpu.memory_space<hbm>>
        %dma_wait3A_26 = arith.constant 0 : i32
        %dma_wait3A_27 = tpu.memref_slice %arg7[%multiple_of3A, %dma_wait3A_26] : memref<800000x8xf32, #tpu.memory_space<hbm>> -> memref<128x8xf32, #tpu.memory_space<hbm>>
        tpu.wait_dma2 semaphore(%run_scoped3A : memref<!tpu.dma_semaphore, #tpu.memory_space<semaphore_mem>>) src(%arg12 : memref<128x8xf32, #tpu.memory_space<vmem>>) dst(%dma_wait3A_27 : memref<128x8xf32, #tpu.memory_space<hbm>>)
        tpu.yield
      }) : () -> ()
      "tpu.region"() ({
        %run_scoped3A = tpu.sem_alloc : memref<!tpu.dma_semaphore, #tpu.memory_space<semaphore_mem>>
        %dma_start3A = arith.constant 0 : i32
        %dma_start3A_22 = tpu.memref_slice %arg8[%multiple_of3A, %dma_start3A] : memref<800000x32xf32, #tpu.memory_space<hbm>> -> memref<128x32xf32, #tpu.memory_space<hbm>>
        %dma_start3A_23 = arith.constant 0 : i32
        %dma_start3A_24 = tpu.memref_slice %arg8[%multiple_of3A, %dma_start3A_23] : memref<800000x32xf32, #tpu.memory_space<hbm>> -> memref<128x32xf32, #tpu.memory_space<hbm>>
        tpu.enqueue_dma source(%arg13 : memref<128x32xf32, #tpu.memory_space<vmem>>) target(%dma_start3A_24 : memref<128x32xf32, #tpu.memory_space<hbm>>) target_semaphore(%run_scoped3A : memref<!tpu.dma_semaphore, #tpu.memory_space<semaphore_mem>>)
        %dma_wait3A = arith.constant 0 : i32
        %dma_wait3A_25 = tpu.memref_slice %arg8[%multiple_of3A, %dma_wait3A] : memref<800000x32xf32, #tpu.memory_space<hbm>> -> memref<128x32xf32, #tpu.memory_space<hbm>>
        %dma_wait3A_26 = arith.constant 0 : i32
        %dma_wait3A_27 = tpu.memref_slice %arg8[%multiple_of3A, %dma_wait3A_26] : memref<800000x32xf32, #tpu.memory_space<hbm>> -> memref<128x32xf32, #tpu.memory_space<hbm>>
        tpu.wait_dma2 semaphore(%run_scoped3A : memref<!tpu.dma_semaphore, #tpu.memory_space<semaphore_mem>>) src(%arg13 : memref<128x32xf32, #tpu.memory_space<vmem>>) dst(%dma_wait3A_27 : memref<128x32xf32, #tpu.memory_space<hbm>>)
        tpu.yield
      }) : () -> ()
    }
    %while3A_17 = arith.constant 1 : i32
    scf.for %while3A_18 = %while3A_15 to %while3A_11 step %while3A_17  : i32 {
      %add3A_19 = arith.addi %add3A_4, %while3A_18 : i32
      %mul3A_20 = arith.constant 128 : i32
      %mul3A_21 = arith.muli %add3A_19, %mul3A_20 : i32
      %multiple_of3A = tpu.assume_multiple %mul3A_21, 128 : i32
      "tpu.region"() ({
        %run_scoped3A = tpu.sem_alloc : memref<!tpu.dma_semaphore, #tpu.memory_space<semaphore_mem>>
        %dma_start3A = tpu.memref_slice %arg4[%multiple_of3A] : memref<800000xi32, #tpu.memory_space<hbm>> -> memref<128xi32, #tpu.memory_space<hbm>>
        %dma_start3A_22 = tpu.memref_slice %arg4[%multiple_of3A] : memref<800000xi32, #tpu.memory_space<hbm>> -> memref<128xi32, #tpu.memory_space<hbm>>
        tpu.enqueue_dma source(%dma_start3A_22 : memref<128xi32, #tpu.memory_space<hbm>>) target(%arg9 : memref<128xi32, #tpu.memory_space<vmem>>) target_semaphore(%run_scoped3A : memref<!tpu.dma_semaphore, #tpu.memory_space<semaphore_mem>>)
        %dma_wait3A = tpu.memref_slice %arg4[%multiple_of3A] : memref<800000xi32, #tpu.memory_space<hbm>> -> memref<128xi32, #tpu.memory_space<hbm>>
        %dma_wait3A_23 = tpu.memref_slice %arg4[%multiple_of3A] : memref<800000xi32, #tpu.memory_space<hbm>> -> memref<128xi32, #tpu.memory_space<hbm>>
        tpu.wait_dma2 semaphore(%run_scoped3A : memref<!tpu.dma_semaphore, #tpu.memory_space<semaphore_mem>>) src(%dma_wait3A_23 : memref<128xi32, #tpu.memory_space<hbm>>) dst(%arg9 : memref<128xi32, #tpu.memory_space<vmem>>)
        tpu.yield
      }) : () -> ()
      "tpu.region"() ({
        %run_scoped3A = tpu.sem_alloc : memref<!tpu.dma_semaphore, #tpu.memory_space<semaphore_mem>>
        %dma_start3A = tpu.memref_slice %arg5[%multiple_of3A] : memref<800000xi32, #tpu.memory_space<hbm>> -> memref<128xi32, #tpu.memory_space<hbm>>
        %dma_start3A_22 = tpu.memref_slice %arg5[%multiple_of3A] : memref<800000xi32, #tpu.memory_space<hbm>> -> memref<128xi32, #tpu.memory_space<hbm>>
        tpu.enqueue_dma source(%dma_start3A_22 : memref<128xi32, #tpu.memory_space<hbm>>) target(%arg10 : memref<128xi32, #tpu.memory_space<vmem>>) target_semaphore(%run_scoped3A : memref<!tpu.dma_semaphore, #tpu.memory_space<semaphore_mem>>)
        %dma_wait3A = tpu.memref_slice %arg5[%multiple_of3A] : memref<800000xi32, #tpu.memory_space<hbm>> -> memref<128xi32, #tpu.memory_space<hbm>>
        %dma_wait3A_23 = tpu.memref_slice %arg5[%multiple_of3A] : memref<800000xi32, #tpu.memory_space<hbm>> -> memref<128xi32, #tpu.memory_space<hbm>>
        tpu.wait_dma2 semaphore(%run_scoped3A : memref<!tpu.dma_semaphore, #tpu.memory_space<semaphore_mem>>) src(%dma_wait3A_23 : memref<128xi32, #tpu.memory_space<hbm>>) dst(%arg10 : memref<128xi32, #tpu.memory_space<vmem>>)
        tpu.yield
      }) : () -> ()
      "tpu.region"() ({
        %run_scoped3A = tpu.sem_alloc : memref<!tpu.dma_semaphore, #tpu.memory_space<semaphore_mem>>
        %dma_start3A = arith.constant 0 : i32
        %dma_start3A_22 = arith.constant 0 : i32
        %dma_start3A_23 = tpu.memref_slice %arg2[%dma_start3A, %dma_start3A_22] : memref<50000x8xf32, #tpu.memory_space<hbm>> -> memref<50000x8xf32, #tpu.memory_space<hbm>>
        tpu.enqueue_indirect_dma source(%dma_start3A_23 : memref<50000x8xf32, #tpu.memory_space<hbm>>) target(%arg11 : memref<128x8xf32, #tpu.memory_space<vmem>>) offsets(%arg9 : memref<128xi32, #tpu.memory_space<vmem>>) semaphore(%run_scoped3A : memref<!tpu.dma_semaphore, #tpu.memory_space<semaphore_mem>>)
        %dma_wait3A = arith.constant 0 : i32
        %dma_wait3A_24 = arith.constant 0 : i32
        %dma_wait3A_25 = tpu.memref_slice %arg2[%dma_wait3A, %dma_wait3A_24] : memref<50000x8xf32, #tpu.memory_space<hbm>> -> memref<50000x8xf32, #tpu.memory_space<hbm>>
        tpu.wait_indirect_dma semaphore(%run_scoped3A : memref<!tpu.dma_semaphore, #tpu.memory_space<semaphore_mem>>) src(%dma_wait3A_25 : memref<50000x8xf32, #tpu.memory_space<hbm>>) dst(%arg11 : memref<128x8xf32, #tpu.memory_space<vmem>>)
        tpu.yield
      }) : () -> ()
      "tpu.region"() ({
        %run_scoped3A = tpu.sem_alloc : memref<!tpu.dma_semaphore, #tpu.memory_space<semaphore_mem>>
        %dma_start3A = arith.constant 0 : i32
        %dma_start3A_22 = arith.constant 0 : i32
        %dma_start3A_23 = tpu.memref_slice %arg2[%dma_start3A, %dma_start3A_22] : memref<50000x8xf32, #tpu.memory_space<hbm>> -> memref<50000x8xf32, #tpu.memory_space<hbm>>
        tpu.enqueue_indirect_dma source(%dma_start3A_23 : memref<50000x8xf32, #tpu.memory_space<hbm>>) target(%arg12 : memref<128x8xf32, #tpu.memory_space<vmem>>) offsets(%arg10 : memref<128xi32, #tpu.memory_space<vmem>>) semaphore(%run_scoped3A : memref<!tpu.dma_semaphore, #tpu.memory_space<semaphore_mem>>)
        %dma_wait3A = arith.constant 0 : i32
        %dma_wait3A_24 = arith.constant 0 : i32
        %dma_wait3A_25 = tpu.memref_slice %arg2[%dma_wait3A, %dma_wait3A_24] : memref<50000x8xf32, #tpu.memory_space<hbm>> -> memref<50000x8xf32, #tpu.memory_space<hbm>>
        tpu.wait_indirect_dma semaphore(%run_scoped3A : memref<!tpu.dma_semaphore, #tpu.memory_space<semaphore_mem>>) src(%dma_wait3A_25 : memref<50000x8xf32, #tpu.memory_space<hbm>>) dst(%arg12 : memref<128x8xf32, #tpu.memory_space<vmem>>)
        tpu.yield
      }) : () -> ()
      "tpu.region"() ({
        %run_scoped3A = tpu.sem_alloc : memref<!tpu.dma_semaphore, #tpu.memory_space<semaphore_mem>>
        %dma_start3A = arith.constant 0 : i32
        %dma_start3A_22 = arith.constant 0 : i32
        %dma_start3A_23 = tpu.memref_slice %arg3[%dma_start3A, %dma_start3A_22] : memref<50000x32xf32, #tpu.memory_space<hbm>> -> memref<50000x32xf32, #tpu.memory_space<hbm>>
        tpu.enqueue_indirect_dma source(%dma_start3A_23 : memref<50000x32xf32, #tpu.memory_space<hbm>>) target(%arg13 : memref<128x32xf32, #tpu.memory_space<vmem>>) offsets(%arg9 : memref<128xi32, #tpu.memory_space<vmem>>) semaphore(%run_scoped3A : memref<!tpu.dma_semaphore, #tpu.memory_space<semaphore_mem>>)
        %dma_wait3A = arith.constant 0 : i32
        %dma_wait3A_24 = arith.constant 0 : i32
        %dma_wait3A_25 = tpu.memref_slice %arg3[%dma_wait3A, %dma_wait3A_24] : memref<50000x32xf32, #tpu.memory_space<hbm>> -> memref<50000x32xf32, #tpu.memory_space<hbm>>
        tpu.wait_indirect_dma semaphore(%run_scoped3A : memref<!tpu.dma_semaphore, #tpu.memory_space<semaphore_mem>>) src(%dma_wait3A_25 : memref<50000x32xf32, #tpu.memory_space<hbm>>) dst(%arg13 : memref<128x32xf32, #tpu.memory_space<vmem>>)
        tpu.yield
      }) : () -> ()
      "tpu.region"() ({
        %run_scoped3A = tpu.sem_alloc : memref<!tpu.dma_semaphore, #tpu.memory_space<semaphore_mem>>
        %dma_start3A = arith.constant 0 : i32
        %dma_start3A_22 = tpu.memref_slice %arg6[%multiple_of3A, %dma_start3A] : memref<800000x8xf32, #tpu.memory_space<hbm>> -> memref<128x8xf32, #tpu.memory_space<hbm>>
        %dma_start3A_23 = arith.constant 0 : i32
        %dma_start3A_24 = tpu.memref_slice %arg6[%multiple_of3A, %dma_start3A_23] : memref<800000x8xf32, #tpu.memory_space<hbm>> -> memref<128x8xf32, #tpu.memory_space<hbm>>
        tpu.enqueue_dma source(%arg11 : memref<128x8xf32, #tpu.memory_space<vmem>>) target(%dma_start3A_24 : memref<128x8xf32, #tpu.memory_space<hbm>>) target_semaphore(%run_scoped3A : memref<!tpu.dma_semaphore, #tpu.memory_space<semaphore_mem>>)
        %dma_wait3A = arith.constant 0 : i32
        %dma_wait3A_25 = tpu.memref_slice %arg6[%multiple_of3A, %dma_wait3A] : memref<800000x8xf32, #tpu.memory_space<hbm>> -> memref<128x8xf32, #tpu.memory_space<hbm>>
        %dma_wait3A_26 = arith.constant 0 : i32
        %dma_wait3A_27 = tpu.memref_slice %arg6[%multiple_of3A, %dma_wait3A_26] : memref<800000x8xf32, #tpu.memory_space<hbm>> -> memref<128x8xf32, #tpu.memory_space<hbm>>
        tpu.wait_dma2 semaphore(%run_scoped3A : memref<!tpu.dma_semaphore, #tpu.memory_space<semaphore_mem>>) src(%arg11 : memref<128x8xf32, #tpu.memory_space<vmem>>) dst(%dma_wait3A_27 : memref<128x8xf32, #tpu.memory_space<hbm>>)
        tpu.yield
      }) : () -> ()
      "tpu.region"() ({
        %run_scoped3A = tpu.sem_alloc : memref<!tpu.dma_semaphore, #tpu.memory_space<semaphore_mem>>
        %dma_start3A = arith.constant 0 : i32
        %dma_start3A_22 = tpu.memref_slice %arg7[%multiple_of3A, %dma_start3A] : memref<800000x8xf32, #tpu.memory_space<hbm>> -> memref<128x8xf32, #tpu.memory_space<hbm>>
        %dma_start3A_23 = arith.constant 0 : i32
        %dma_start3A_24 = tpu.memref_slice %arg7[%multiple_of3A, %dma_start3A_23] : memref<800000x8xf32, #tpu.memory_space<hbm>> -> memref<128x8xf32, #tpu.memory_space<hbm>>
        tpu.enqueue_dma source(%arg12 : memref<128x8xf32, #tpu.memory_space<vmem>>) target(%dma_start3A_24 : memref<128x8xf32, #tpu.memory_space<hbm>>) target_semaphore(%run_scoped3A : memref<!tpu.dma_semaphore, #tpu.memory_space<semaphore_mem>>)
        %dma_wait3A = arith.constant 0 : i32
        %dma_wait3A_25 = tpu.memref_slice %arg7[%multiple_of3A, %dma_wait3A] : memref<800000x8xf32, #tpu.memory_space<hbm>> -> memref<128x8xf32, #tpu.memory_space<hbm>>
        %dma_wait3A_26 = arith.constant 0 : i32
        %dma_wait3A_27 = tpu.memref_slice %arg7[%multiple_of3A, %dma_wait3A_26] : memref<800000x8xf32, #tpu.memory_space<hbm>> -> memref<128x8xf32, #tpu.memory_space<hbm>>
        tpu.wait_dma2 semaphore(%run_scoped3A : memref<!tpu.dma_semaphore, #tpu.memory_space<semaphore_mem>>) src(%arg12 : memref<128x8xf32, #tpu.memory_space<vmem>>) dst(%dma_wait3A_27 : memref<128x8xf32, #tpu.memory_space<hbm>>)
        tpu.yield
      }) : () -> ()
      "tpu.region"() ({
        %run_scoped3A = tpu.sem_alloc : memref<!tpu.dma_semaphore, #tpu.memory_space<semaphore_mem>>
        %dma_start3A = arith.constant 0 : i32
        %dma_start3A_22 = tpu.memref_slice %arg8[%multiple_of3A, %dma_start3A] : memref<800000x32xf32, #tpu.memory_space<hbm>> -> memref<128x32xf32, #tpu.memory_space<hbm>>
        %dma_start3A_23 = arith.constant 0 : i32
        %dma_start3A_24 = tpu.memref_slice %arg8[%multiple_of3A, %dma_start3A_23] : memref<800000x32xf32, #tpu.memory_space<hbm>> -> memref<128x32xf32, #tpu.memory_space<hbm>>
        tpu.enqueue_dma source(%arg13 : memref<128x32xf32, #tpu.memory_space<vmem>>) target(%dma_start3A_24 : memref<128x32xf32, #tpu.memory_space<hbm>>) target_semaphore(%run_scoped3A : memref<!tpu.dma_semaphore, #tpu.memory_space<semaphore_mem>>)
        %dma_wait3A = arith.constant 0 : i32
        %dma_wait3A_25 = tpu.memref_slice %arg8[%multiple_of3A, %dma_wait3A] : memref<800000x32xf32, #tpu.memory_space<hbm>> -> memref<128x32xf32, #tpu.memory_space<hbm>>
        %dma_wait3A_26 = arith.constant 0 : i32
        %dma_wait3A_27 = tpu.memref_slice %arg8[%multiple_of3A, %dma_wait3A_26] : memref<800000x32xf32, #tpu.memory_space<hbm>> -> memref<128x32xf32, #tpu.memory_space<hbm>>
        tpu.wait_dma2 semaphore(%run_scoped3A : memref<!tpu.dma_semaphore, #tpu.memory_space<semaphore_mem>>) src(%arg13 : memref<128x32xf32, #tpu.memory_space<vmem>>) dst(%dma_wait3A_27 : memref<128x32xf32, #tpu.memory_space<hbm>>)
        tpu.yield
      }) : () -> ()
    }
    return
  }
}

#map = affine_map<(d0, d1) -> (0, 0)>
#map1 = affine_map<(d0, d1) -> (0)>
#map2 = affine_map<(d0, d1) -> (0, 0, 0)>
module attributes {stable_mosaic.version = 14 : i64} {
  func.func @k(%arg0: i32, %arg1: i32, %arg2: memref<800000x32xf32, #tpu.memory_space<hbm>>, %arg3: memref<800000xi32, #tpu.memory_space<hbm>>, %arg4: memref<3125x32xf32, #tpu.memory_space<hbm>>, %arg5: memref<2x50000x32xf32, #tpu.memory_space<hbm>>, %arg6: memref<50000x32xf32, #tpu.memory_space<vmem_shared>>, %arg7: memref<128xi32, #tpu.memory_space<vmem>>, %arg8: memref<128x32xf32, #tpu.memory_space<vmem>>) attributes {dimension_semantics = [#tpu.dimension_semantics<core_parallel>, #tpu.dimension_semantics<subcore_parallel>], iteration_bounds = array<i64: 2, 16>, scalar_prefetch = 0 : i64, scratch_operands = 3 : i64, tpu.core_type = #tpu.core_type<sc_vector_subcore>, window_params = [{transform_indices = #map}, {transform_indices = #map1}, {transform_indices = #map}, {transform_indices = #map2}]} {
    %mul3A = arith.constant 3125 : i32
    %mul3A_0 = arith.muli %arg1, %mul3A : i32
    "tpu.region"() ({
      %run_scoped3A = tpu.sem_alloc : memref<!tpu.dma_semaphore, #tpu.memory_space<semaphore_mem>>
      %dma_start3A = arith.constant 0 : i32
      %dma_start3A_25 = tpu.memref_slice %arg6[%mul3A_0, %dma_start3A] : memref<50000x32xf32, #tpu.memory_space<vmem_shared>> -> memref<3125x32xf32, #tpu.memory_space<vmem_shared>>
      tpu.enqueue_dma source(%arg4 : memref<3125x32xf32, #tpu.memory_space<hbm>>) target(%dma_start3A_25 : memref<3125x32xf32, #tpu.memory_space<vmem_shared>>) target_semaphore(%run_scoped3A : memref<!tpu.dma_semaphore, #tpu.memory_space<semaphore_mem>>)
      %dma_wait3A = arith.constant 0 : i32
      %dma_wait3A_26 = tpu.memref_slice %arg6[%mul3A_0, %dma_wait3A] : memref<50000x32xf32, #tpu.memory_space<vmem_shared>> -> memref<3125x32xf32, #tpu.memory_space<vmem_shared>>
      tpu.wait_dma2 semaphore(%run_scoped3A : memref<!tpu.dma_semaphore, #tpu.memory_space<semaphore_mem>>) src(%arg4 : memref<3125x32xf32, #tpu.memory_space<hbm>>) dst(%dma_wait3A_26 : memref<3125x32xf32, #tpu.memory_space<vmem_shared>>)
      tpu.yield
    }) : () -> ()
    %barrier3A = arith.constant 0 : index
    tpu.barrier barrier_id(%barrier3A)
    %mul3A_1 = arith.constant 3125 : i32
    %mul3A_2 = arith.muli %arg0, %mul3A_1 : i32
    %mul3A_3 = arith.constant 195 : i32
    %mul3A_4 = arith.muli %arg1, %mul3A_3 : i32
    %add3A = arith.addi %mul3A_2, %mul3A_4 : i32
    %min3A = arith.constant 5 : i32
    %min3A_5 = arith.minsi %arg1, %min3A : i32
    %add3A_6 = arith.addi %add3A, %min3A_5 : i32
    %lt3A = arith.constant 5 : i32
    %lt3A_7 = arith.cmpi slt, %arg1, %lt3A : i32
    %jit3A = arith.constant 1 : i32
    %jit3A_8 = arith.constant 0 : i32
    %select_n3A = arith.select %lt3A_7, %jit3A, %jit3A_8 : i32
    %add3A_9 = arith.constant 195 : i32
    %add3A_10 = arith.addi %add3A_9, %select_n3A : i32
    %while3A = arith.constant 0 : i32
    %while3A_11 = arith.constant 0 : i32
    %while3A_12 = arith.subi %add3A_10, %while3A_11 : i32
    %while3A_13 = arith.addi %while3A_11, %while3A_12 : i32
    %while3A_14 = arith.constant 1 : i32
    %while3A_15 = arith.divsi %while3A_12, %while3A_14 : i32
    %while3A_16 = arith.muli %while3A_15, %while3A_14 : i32
    %while3A_17 = arith.addi %while3A_11, %while3A_16 : i32
    %while3A_18 = arith.constant 1 : i32
    scf.for %while3A_25 = %while3A_11 to %while3A_17 step %while3A_18  : i32 {
      %add3A_26 = arith.addi %add3A_6, %while3A_25 : i32
      %mul3A_27 = arith.constant 128 : i32
      %mul3A_28 = arith.muli %add3A_26, %mul3A_27 : i32
      %multiple_of3A = tpu.assume_multiple %mul3A_28, 128 : i32
      "tpu.region"() ({
        %run_scoped3A = tpu.sem_alloc : memref<!tpu.dma_semaphore, #tpu.memory_space<semaphore_mem>>
        %dma_start3A = tpu.memref_slice %arg3[%multiple_of3A] : memref<800000xi32, #tpu.memory_space<hbm>> -> memref<128xi32, #tpu.memory_space<hbm>>
        %dma_start3A_29 = tpu.memref_slice %arg3[%multiple_of3A] : memref<800000xi32, #tpu.memory_space<hbm>> -> memref<128xi32, #tpu.memory_space<hbm>>
        tpu.enqueue_dma source(%dma_start3A_29 : memref<128xi32, #tpu.memory_space<hbm>>) target(%arg7 : memref<128xi32, #tpu.memory_space<vmem>>) target_semaphore(%run_scoped3A : memref<!tpu.dma_semaphore, #tpu.memory_space<semaphore_mem>>)
        %dma_wait3A = tpu.memref_slice %arg3[%multiple_of3A] : memref<800000xi32, #tpu.memory_space<hbm>> -> memref<128xi32, #tpu.memory_space<hbm>>
        %dma_wait3A_30 = tpu.memref_slice %arg3[%multiple_of3A] : memref<800000xi32, #tpu.memory_space<hbm>> -> memref<128xi32, #tpu.memory_space<hbm>>
        tpu.wait_dma2 semaphore(%run_scoped3A : memref<!tpu.dma_semaphore, #tpu.memory_space<semaphore_mem>>) src(%dma_wait3A_30 : memref<128xi32, #tpu.memory_space<hbm>>) dst(%arg7 : memref<128xi32, #tpu.memory_space<vmem>>)
        tpu.yield
      }) : () -> ()
      "tpu.region"() ({
        %run_scoped3A = tpu.sem_alloc : memref<!tpu.dma_semaphore, #tpu.memory_space<semaphore_mem>>
        %dma_start3A = arith.constant 0 : i32
        %dma_start3A_29 = tpu.memref_slice %arg2[%multiple_of3A, %dma_start3A] : memref<800000x32xf32, #tpu.memory_space<hbm>> -> memref<128x32xf32, #tpu.memory_space<hbm>>
        %dma_start3A_30 = arith.constant 0 : i32
        %dma_start3A_31 = tpu.memref_slice %arg2[%multiple_of3A, %dma_start3A_30] : memref<800000x32xf32, #tpu.memory_space<hbm>> -> memref<128x32xf32, #tpu.memory_space<hbm>>
        tpu.enqueue_dma source(%dma_start3A_31 : memref<128x32xf32, #tpu.memory_space<hbm>>) target(%arg8 : memref<128x32xf32, #tpu.memory_space<vmem>>) target_semaphore(%run_scoped3A : memref<!tpu.dma_semaphore, #tpu.memory_space<semaphore_mem>>)
        %dma_wait3A = arith.constant 0 : i32
        %dma_wait3A_32 = tpu.memref_slice %arg2[%multiple_of3A, %dma_wait3A] : memref<800000x32xf32, #tpu.memory_space<hbm>> -> memref<128x32xf32, #tpu.memory_space<hbm>>
        %dma_wait3A_33 = arith.constant 0 : i32
        %dma_wait3A_34 = tpu.memref_slice %arg2[%multiple_of3A, %dma_wait3A_33] : memref<800000x32xf32, #tpu.memory_space<hbm>> -> memref<128x32xf32, #tpu.memory_space<hbm>>
        tpu.wait_dma2 semaphore(%run_scoped3A : memref<!tpu.dma_semaphore, #tpu.memory_space<semaphore_mem>>) src(%dma_wait3A_34 : memref<128x32xf32, #tpu.memory_space<hbm>>) dst(%arg8 : memref<128x32xf32, #tpu.memory_space<vmem>>)
        tpu.yield
      }) : () -> ()
      "tpu.region"() ({
        %run_scoped3A = tpu.sem_alloc : memref<!tpu.dma_semaphore, #tpu.memory_space<semaphore_mem>>
        %dma_start3A = arith.constant 0 : i32
        %dma_start3A_29 = arith.constant 0 : i32
        %dma_start3A_30 = tpu.memref_slice %arg6[%dma_start3A, %dma_start3A_29] : memref<50000x32xf32, #tpu.memory_space<vmem_shared>> -> memref<50000x32xf32, #tpu.memory_space<vmem_shared>>
        tpu.enqueue_indirect_dma source(%arg8 : memref<128x32xf32, #tpu.memory_space<vmem>>) target(%dma_start3A_30 : memref<50000x32xf32, #tpu.memory_space<vmem_shared>>) offsets(%arg7 : memref<128xi32, #tpu.memory_space<vmem>>) semaphore(%run_scoped3A : memref<!tpu.dma_semaphore, #tpu.memory_space<semaphore_mem>>) {add = true}
        %dma_wait3A = arith.constant 0 : i32
        %dma_wait3A_31 = arith.constant 0 : i32
        %dma_wait3A_32 = tpu.memref_slice %arg6[%dma_wait3A, %dma_wait3A_31] : memref<50000x32xf32, #tpu.memory_space<vmem_shared>> -> memref<50000x32xf32, #tpu.memory_space<vmem_shared>>
        tpu.wait_indirect_dma semaphore(%run_scoped3A : memref<!tpu.dma_semaphore, #tpu.memory_space<semaphore_mem>>) src(%arg8 : memref<128x32xf32, #tpu.memory_space<vmem>>) dst(%dma_wait3A_32 : memref<50000x32xf32, #tpu.memory_space<vmem_shared>>)
        tpu.yield
      }) : () -> ()
    }
    %while3A_19 = arith.constant 1 : i32
    scf.for %while3A_25 = %while3A_17 to %while3A_13 step %while3A_19  : i32 {
      %add3A_26 = arith.addi %add3A_6, %while3A_25 : i32
      %mul3A_27 = arith.constant 128 : i32
      %mul3A_28 = arith.muli %add3A_26, %mul3A_27 : i32
      %multiple_of3A = tpu.assume_multiple %mul3A_28, 128 : i32
      "tpu.region"() ({
        %run_scoped3A = tpu.sem_alloc : memref<!tpu.dma_semaphore, #tpu.memory_space<semaphore_mem>>
        %dma_start3A = tpu.memref_slice %arg3[%multiple_of3A] : memref<800000xi32, #tpu.memory_space<hbm>> -> memref<128xi32, #tpu.memory_space<hbm>>
        %dma_start3A_29 = tpu.memref_slice %arg3[%multiple_of3A] : memref<800000xi32, #tpu.memory_space<hbm>> -> memref<128xi32, #tpu.memory_space<hbm>>
        tpu.enqueue_dma source(%dma_start3A_29 : memref<128xi32, #tpu.memory_space<hbm>>) target(%arg7 : memref<128xi32, #tpu.memory_space<vmem>>) target_semaphore(%run_scoped3A : memref<!tpu.dma_semaphore, #tpu.memory_space<semaphore_mem>>)
        %dma_wait3A = tpu.memref_slice %arg3[%multiple_of3A] : memref<800000xi32, #tpu.memory_space<hbm>> -> memref<128xi32, #tpu.memory_space<hbm>>
        %dma_wait3A_30 = tpu.memref_slice %arg3[%multiple_of3A] : memref<800000xi32, #tpu.memory_space<hbm>> -> memref<128xi32, #tpu.memory_space<hbm>>
        tpu.wait_dma2 semaphore(%run_scoped3A : memref<!tpu.dma_semaphore, #tpu.memory_space<semaphore_mem>>) src(%dma_wait3A_30 : memref<128xi32, #tpu.memory_space<hbm>>) dst(%arg7 : memref<128xi32, #tpu.memory_space<vmem>>)
        tpu.yield
      }) : () -> ()
      "tpu.region"() ({
        %run_scoped3A = tpu.sem_alloc : memref<!tpu.dma_semaphore, #tpu.memory_space<semaphore_mem>>
        %dma_start3A = arith.constant 0 : i32
        %dma_start3A_29 = tpu.memref_slice %arg2[%multiple_of3A, %dma_start3A] : memref<800000x32xf32, #tpu.memory_space<hbm>> -> memref<128x32xf32, #tpu.memory_space<hbm>>
        %dma_start3A_30 = arith.constant 0 : i32
        %dma_start3A_31 = tpu.memref_slice %arg2[%multiple_of3A, %dma_start3A_30] : memref<800000x32xf32, #tpu.memory_space<hbm>> -> memref<128x32xf32, #tpu.memory_space<hbm>>
        tpu.enqueue_dma source(%dma_start3A_31 : memref<128x32xf32, #tpu.memory_space<hbm>>) target(%arg8 : memref<128x32xf32, #tpu.memory_space<vmem>>) target_semaphore(%run_scoped3A : memref<!tpu.dma_semaphore, #tpu.memory_space<semaphore_mem>>)
        %dma_wait3A = arith.constant 0 : i32
        %dma_wait3A_32 = tpu.memref_slice %arg2[%multiple_of3A, %dma_wait3A] : memref<800000x32xf32, #tpu.memory_space<hbm>> -> memref<128x32xf32, #tpu.memory_space<hbm>>
        %dma_wait3A_33 = arith.constant 0 : i32
        %dma_wait3A_34 = tpu.memref_slice %arg2[%multiple_of3A, %dma_wait3A_33] : memref<800000x32xf32, #tpu.memory_space<hbm>> -> memref<128x32xf32, #tpu.memory_space<hbm>>
        tpu.wait_dma2 semaphore(%run_scoped3A : memref<!tpu.dma_semaphore, #tpu.memory_space<semaphore_mem>>) src(%dma_wait3A_34 : memref<128x32xf32, #tpu.memory_space<hbm>>) dst(%arg8 : memref<128x32xf32, #tpu.memory_space<vmem>>)
        tpu.yield
      }) : () -> ()
      "tpu.region"() ({
        %run_scoped3A = tpu.sem_alloc : memref<!tpu.dma_semaphore, #tpu.memory_space<semaphore_mem>>
        %dma_start3A = arith.constant 0 : i32
        %dma_start3A_29 = arith.constant 0 : i32
        %dma_start3A_30 = tpu.memref_slice %arg6[%dma_start3A, %dma_start3A_29] : memref<50000x32xf32, #tpu.memory_space<vmem_shared>> -> memref<50000x32xf32, #tpu.memory_space<vmem_shared>>
        tpu.enqueue_indirect_dma source(%arg8 : memref<128x32xf32, #tpu.memory_space<vmem>>) target(%dma_start3A_30 : memref<50000x32xf32, #tpu.memory_space<vmem_shared>>) offsets(%arg7 : memref<128xi32, #tpu.memory_space<vmem>>) semaphore(%run_scoped3A : memref<!tpu.dma_semaphore, #tpu.memory_space<semaphore_mem>>) {add = true}
        %dma_wait3A = arith.constant 0 : i32
        %dma_wait3A_31 = arith.constant 0 : i32
        %dma_wait3A_32 = tpu.memref_slice %arg6[%dma_wait3A, %dma_wait3A_31] : memref<50000x32xf32, #tpu.memory_space<vmem_shared>> -> memref<50000x32xf32, #tpu.memory_space<vmem_shared>>
        tpu.wait_indirect_dma semaphore(%run_scoped3A : memref<!tpu.dma_semaphore, #tpu.memory_space<semaphore_mem>>) src(%arg8 : memref<128x32xf32, #tpu.memory_space<vmem>>) dst(%dma_wait3A_32 : memref<50000x32xf32, #tpu.memory_space<vmem_shared>>)
        tpu.yield
      }) : () -> ()
    }
    %barrier3A_20 = arith.constant 0 : index
    tpu.barrier barrier_id(%barrier3A_20)
    %mul3A_21 = arith.constant 3125 : i32
    %mul3A_22 = arith.muli %arg1, %mul3A_21 : i32
    %mul3A_23 = arith.constant 3125 : i32
    %mul3A_24 = arith.muli %arg1, %mul3A_23 : i32
    "tpu.region"() ({
      %run_scoped3A = tpu.sem_alloc : memref<!tpu.dma_semaphore, #tpu.memory_space<semaphore_mem>>
      %dma_start3A = arith.constant 0 : i32
      %dma_start3A_25 = tpu.memref_slice %arg5[%arg0, %mul3A_24, %dma_start3A] : memref<2x50000x32xf32, #tpu.memory_space<hbm>> -> memref<1x3125x32xf32, #tpu.memory_space<hbm>>
      %dma_start3A_26 = tpu.memref_squeeze %dma_start3A_25 : memref<1x3125x32xf32, #tpu.memory_space<hbm>> -> memref<3125x32xf32, #tpu.memory_space<hbm>>
      %dma_start3A_27 = arith.constant 0 : i32
      %dma_start3A_28 = tpu.memref_slice %arg6[%mul3A_22, %dma_start3A_27] : memref<50000x32xf32, #tpu.memory_space<vmem_shared>> -> memref<3125x32xf32, #tpu.memory_space<vmem_shared>>
      tpu.enqueue_dma source(%dma_start3A_28 : memref<3125x32xf32, #tpu.memory_space<vmem_shared>>) target(%dma_start3A_26 : memref<3125x32xf32, #tpu.memory_space<hbm>>) target_semaphore(%run_scoped3A : memref<!tpu.dma_semaphore, #tpu.memory_space<semaphore_mem>>)
      %dma_wait3A = arith.constant 0 : i32
      %dma_wait3A_29 = tpu.memref_slice %arg5[%arg0, %mul3A_24, %dma_wait3A] : memref<2x50000x32xf32, #tpu.memory_space<hbm>> -> memref<1x3125x32xf32, #tpu.memory_space<hbm>>
      %dma_wait3A_30 = tpu.memref_squeeze %dma_wait3A_29 : memref<1x3125x32xf32, #tpu.memory_space<hbm>> -> memref<3125x32xf32, #tpu.memory_space<hbm>>
      %dma_wait3A_31 = arith.constant 0 : i32
      %dma_wait3A_32 = tpu.memref_slice %arg6[%mul3A_22, %dma_wait3A_31] : memref<50000x32xf32, #tpu.memory_space<vmem_shared>> -> memref<3125x32xf32, #tpu.memory_space<vmem_shared>>
      tpu.wait_dma2 semaphore(%run_scoped3A : memref<!tpu.dma_semaphore, #tpu.memory_space<semaphore_mem>>) src(%dma_wait3A_32 : memref<3125x32xf32, #tpu.memory_space<vmem_shared>>) dst(%dma_wait3A_30 : memref<3125x32xf32, #tpu.memory_space<hbm>>)
      tpu.yield
    }) : () -> ()
    return
  }
}

#map = affine_map<(d0, d1) -> (0, 0)>
#map1 = affine_map<(d0, d1) -> (0)>
module attributes {stable_mosaic.version = 14 : i64} {
  func.func @k(%arg0: i32, %arg1: i32, %arg2: memref<50000x32xf32, #tpu.memory_space<hbm>>, %arg3: memref<800000xi32, #tpu.memory_space<hbm>>, %arg4: memref<800000x32xf32, #tpu.memory_space<hbm>>, %arg5: memref<128xi32, #tpu.memory_space<vmem>>, %arg6: memref<128x32xf32, #tpu.memory_space<vmem>>) attributes {dimension_semantics = [#tpu.dimension_semantics<core_parallel>, #tpu.dimension_semantics<subcore_parallel>], iteration_bounds = array<i64: 2, 16>, scalar_prefetch = 0 : i64, scratch_operands = 2 : i64, tpu.core_type = #tpu.core_type<sc_vector_subcore>, window_params = [{transform_indices = #map}, {transform_indices = #map1}, {transform_indices = #map}]} {
    %mul3A = arith.constant 16 : i32
    %mul3A_0 = arith.muli %arg0, %mul3A : i32
    %add3A = arith.addi %mul3A_0, %arg1 : i32
    %mul3A_1 = arith.constant 195 : i32
    %mul3A_2 = arith.muli %add3A, %mul3A_1 : i32
    %min3A = arith.constant 10 : i32
    %min3A_3 = arith.minsi %add3A, %min3A : i32
    %add3A_4 = arith.addi %mul3A_2, %min3A_3 : i32
    %lt3A = arith.constant 10 : i32
    %lt3A_5 = arith.cmpi slt, %add3A, %lt3A : i32
    %jit3A = arith.constant 1 : i32
    %jit3A_6 = arith.constant 0 : i32
    %select_n3A = arith.select %lt3A_5, %jit3A, %jit3A_6 : i32
    %add3A_7 = arith.constant 195 : i32
    %add3A_8 = arith.addi %add3A_7, %select_n3A : i32
    %while3A = arith.constant 0 : i32
    %while3A_9 = arith.constant 0 : i32
    %while3A_10 = arith.subi %add3A_8, %while3A_9 : i32
    %while3A_11 = arith.addi %while3A_9, %while3A_10 : i32
    %while3A_12 = arith.constant 1 : i32
    %while3A_13 = arith.divsi %while3A_10, %while3A_12 : i32
    %while3A_14 = arith.muli %while3A_13, %while3A_12 : i32
    %while3A_15 = arith.addi %while3A_9, %while3A_14 : i32
    %while3A_16 = arith.constant 1 : i32
    scf.for %while3A_18 = %while3A_9 to %while3A_15 step %while3A_16  : i32 {
      %add3A_19 = arith.addi %add3A_4, %while3A_18 : i32
      %mul3A_20 = arith.constant 128 : i32
      %mul3A_21 = arith.muli %add3A_19, %mul3A_20 : i32
      %multiple_of3A = tpu.assume_multiple %mul3A_21, 128 : i32
      "tpu.region"() ({
        %run_scoped3A = tpu.sem_alloc : memref<!tpu.dma_semaphore, #tpu.memory_space<semaphore_mem>>
        %dma_start3A = tpu.memref_slice %arg3[%multiple_of3A] : memref<800000xi32, #tpu.memory_space<hbm>> -> memref<128xi32, #tpu.memory_space<hbm>>
        %dma_start3A_22 = tpu.memref_slice %arg3[%multiple_of3A] : memref<800000xi32, #tpu.memory_space<hbm>> -> memref<128xi32, #tpu.memory_space<hbm>>
        tpu.enqueue_dma source(%dma_start3A_22 : memref<128xi32, #tpu.memory_space<hbm>>) target(%arg5 : memref<128xi32, #tpu.memory_space<vmem>>) target_semaphore(%run_scoped3A : memref<!tpu.dma_semaphore, #tpu.memory_space<semaphore_mem>>)
        %dma_wait3A = tpu.memref_slice %arg3[%multiple_of3A] : memref<800000xi32, #tpu.memory_space<hbm>> -> memref<128xi32, #tpu.memory_space<hbm>>
        %dma_wait3A_23 = tpu.memref_slice %arg3[%multiple_of3A] : memref<800000xi32, #tpu.memory_space<hbm>> -> memref<128xi32, #tpu.memory_space<hbm>>
        tpu.wait_dma2 semaphore(%run_scoped3A : memref<!tpu.dma_semaphore, #tpu.memory_space<semaphore_mem>>) src(%dma_wait3A_23 : memref<128xi32, #tpu.memory_space<hbm>>) dst(%arg5 : memref<128xi32, #tpu.memory_space<vmem>>)
        tpu.yield
      }) : () -> ()
      "tpu.region"() ({
        %run_scoped3A = tpu.sem_alloc : memref<!tpu.dma_semaphore, #tpu.memory_space<semaphore_mem>>
        %dma_start3A = arith.constant 0 : i32
        %dma_start3A_22 = arith.constant 0 : i32
        %dma_start3A_23 = tpu.memref_slice %arg2[%dma_start3A, %dma_start3A_22] : memref<50000x32xf32, #tpu.memory_space<hbm>> -> memref<50000x32xf32, #tpu.memory_space<hbm>>
        tpu.enqueue_indirect_dma source(%dma_start3A_23 : memref<50000x32xf32, #tpu.memory_space<hbm>>) target(%arg6 : memref<128x32xf32, #tpu.memory_space<vmem>>) offsets(%arg5 : memref<128xi32, #tpu.memory_space<vmem>>) semaphore(%run_scoped3A : memref<!tpu.dma_semaphore, #tpu.memory_space<semaphore_mem>>)
        %dma_wait3A = arith.constant 0 : i32
        %dma_wait3A_24 = arith.constant 0 : i32
        %dma_wait3A_25 = tpu.memref_slice %arg2[%dma_wait3A, %dma_wait3A_24] : memref<50000x32xf32, #tpu.memory_space<hbm>> -> memref<50000x32xf32, #tpu.memory_space<hbm>>
        tpu.wait_indirect_dma semaphore(%run_scoped3A : memref<!tpu.dma_semaphore, #tpu.memory_space<semaphore_mem>>) src(%dma_wait3A_25 : memref<50000x32xf32, #tpu.memory_space<hbm>>) dst(%arg6 : memref<128x32xf32, #tpu.memory_space<vmem>>)
        tpu.yield
      }) : () -> ()
      "tpu.region"() ({
        %run_scoped3A = tpu.sem_alloc : memref<!tpu.dma_semaphore, #tpu.memory_space<semaphore_mem>>
        %dma_start3A = arith.constant 0 : i32
        %dma_start3A_22 = tpu.memref_slice %arg4[%multiple_of3A, %dma_start3A] : memref<800000x32xf32, #tpu.memory_space<hbm>> -> memref<128x32xf32, #tpu.memory_space<hbm>>
        %dma_start3A_23 = arith.constant 0 : i32
        %dma_start3A_24 = tpu.memref_slice %arg4[%multiple_of3A, %dma_start3A_23] : memref<800000x32xf32, #tpu.memory_space<hbm>> -> memref<128x32xf32, #tpu.memory_space<hbm>>
        tpu.enqueue_dma source(%arg6 : memref<128x32xf32, #tpu.memory_space<vmem>>) target(%dma_start3A_24 : memref<128x32xf32, #tpu.memory_space<hbm>>) target_semaphore(%run_scoped3A : memref<!tpu.dma_semaphore, #tpu.memory_space<semaphore_mem>>)
        %dma_wait3A = arith.constant 0 : i32
        %dma_wait3A_25 = tpu.memref_slice %arg4[%multiple_of3A, %dma_wait3A] : memref<800000x32xf32, #tpu.memory_space<hbm>> -> memref<128x32xf32, #tpu.memory_space<hbm>>
        %dma_wait3A_26 = arith.constant 0 : i32
        %dma_wait3A_27 = tpu.memref_slice %arg4[%multiple_of3A, %dma_wait3A_26] : memref<800000x32xf32, #tpu.memory_space<hbm>> -> memref<128x32xf32, #tpu.memory_space<hbm>>
        tpu.wait_dma2 semaphore(%run_scoped3A : memref<!tpu.dma_semaphore, #tpu.memory_space<semaphore_mem>>) src(%arg6 : memref<128x32xf32, #tpu.memory_space<vmem>>) dst(%dma_wait3A_27 : memref<128x32xf32, #tpu.memory_space<hbm>>)
        tpu.yield
      }) : () -> ()
    }
    %while3A_17 = arith.constant 1 : i32
    scf.for %while3A_18 = %while3A_15 to %while3A_11 step %while3A_17  : i32 {
      %add3A_19 = arith.addi %add3A_4, %while3A_18 : i32
      %mul3A_20 = arith.constant 128 : i32
      %mul3A_21 = arith.muli %add3A_19, %mul3A_20 : i32
      %multiple_of3A = tpu.assume_multiple %mul3A_21, 128 : i32
      "tpu.region"() ({
        %run_scoped3A = tpu.sem_alloc : memref<!tpu.dma_semaphore, #tpu.memory_space<semaphore_mem>>
        %dma_start3A = tpu.memref_slice %arg3[%multiple_of3A] : memref<800000xi32, #tpu.memory_space<hbm>> -> memref<128xi32, #tpu.memory_space<hbm>>
        %dma_start3A_22 = tpu.memref_slice %arg3[%multiple_of3A] : memref<800000xi32, #tpu.memory_space<hbm>> -> memref<128xi32, #tpu.memory_space<hbm>>
        tpu.enqueue_dma source(%dma_start3A_22 : memref<128xi32, #tpu.memory_space<hbm>>) target(%arg5 : memref<128xi32, #tpu.memory_space<vmem>>) target_semaphore(%run_scoped3A : memref<!tpu.dma_semaphore, #tpu.memory_space<semaphore_mem>>)
        %dma_wait3A = tpu.memref_slice %arg3[%multiple_of3A] : memref<800000xi32, #tpu.memory_space<hbm>> -> memref<128xi32, #tpu.memory_space<hbm>>
        %dma_wait3A_23 = tpu.memref_slice %arg3[%multiple_of3A] : memref<800000xi32, #tpu.memory_space<hbm>> -> memref<128xi32, #tpu.memory_space<hbm>>
        tpu.wait_dma2 semaphore(%run_scoped3A : memref<!tpu.dma_semaphore, #tpu.memory_space<semaphore_mem>>) src(%dma_wait3A_23 : memref<128xi32, #tpu.memory_space<hbm>>) dst(%arg5 : memref<128xi32, #tpu.memory_space<vmem>>)
        tpu.yield
      }) : () -> ()
      "tpu.region"() ({
        %run_scoped3A = tpu.sem_alloc : memref<!tpu.dma_semaphore, #tpu.memory_space<semaphore_mem>>
        %dma_start3A = arith.constant 0 : i32
        %dma_start3A_22 = arith.constant 0 : i32
        %dma_start3A_23 = tpu.memref_slice %arg2[%dma_start3A, %dma_start3A_22] : memref<50000x32xf32, #tpu.memory_space<hbm>> -> memref<50000x32xf32, #tpu.memory_space<hbm>>
        tpu.enqueue_indirect_dma source(%dma_start3A_23 : memref<50000x32xf32, #tpu.memory_space<hbm>>) target(%arg6 : memref<128x32xf32, #tpu.memory_space<vmem>>) offsets(%arg5 : memref<128xi32, #tpu.memory_space<vmem>>) semaphore(%run_scoped3A : memref<!tpu.dma_semaphore, #tpu.memory_space<semaphore_mem>>)
        %dma_wait3A = arith.constant 0 : i32
        %dma_wait3A_24 = arith.constant 0 : i32
        %dma_wait3A_25 = tpu.memref_slice %arg2[%dma_wait3A, %dma_wait3A_24] : memref<50000x32xf32, #tpu.memory_space<hbm>> -> memref<50000x32xf32, #tpu.memory_space<hbm>>
        tpu.wait_indirect_dma semaphore(%run_scoped3A : memref<!tpu.dma_semaphore, #tpu.memory_space<semaphore_mem>>) src(%dma_wait3A_25 : memref<50000x32xf32, #tpu.memory_space<hbm>>) dst(%arg6 : memref<128x32xf32, #tpu.memory_space<vmem>>)
        tpu.yield
      }) : () -> ()
      "tpu.region"() ({
        %run_scoped3A = tpu.sem_alloc : memref<!tpu.dma_semaphore, #tpu.memory_space<semaphore_mem>>
        %dma_start3A = arith.constant 0 : i32
        %dma_start3A_22 = tpu.memref_slice %arg4[%multiple_of3A, %dma_start3A] : memref<800000x32xf32, #tpu.memory_space<hbm>> -> memref<128x32xf32, #tpu.memory_space<hbm>>
        %dma_start3A_23 = arith.constant 0 : i32
        %dma_start3A_24 = tpu.memref_slice %arg4[%multiple_of3A, %dma_start3A_23] : memref<800000x32xf32, #tpu.memory_space<hbm>> -> memref<128x32xf32, #tpu.memory_space<hbm>>
        tpu.enqueue_dma source(%arg6 : memref<128x32xf32, #tpu.memory_space<vmem>>) target(%dma_start3A_24 : memref<128x32xf32, #tpu.memory_space<hbm>>) target_semaphore(%run_scoped3A : memref<!tpu.dma_semaphore, #tpu.memory_space<semaphore_mem>>)
        %dma_wait3A = arith.constant 0 : i32
        %dma_wait3A_25 = tpu.memref_slice %arg4[%multiple_of3A, %dma_wait3A] : memref<800000x32xf32, #tpu.memory_space<hbm>> -> memref<128x32xf32, #tpu.memory_space<hbm>>
        %dma_wait3A_26 = arith.constant 0 : i32
        %dma_wait3A_27 = tpu.memref_slice %arg4[%multiple_of3A, %dma_wait3A_26] : memref<800000x32xf32, #tpu.memory_space<hbm>> -> memref<128x32xf32, #tpu.memory_space<hbm>>
        tpu.wait_dma2 semaphore(%run_scoped3A : memref<!tpu.dma_semaphore, #tpu.memory_space<semaphore_mem>>) src(%arg6 : memref<128x32xf32, #tpu.memory_space<vmem>>) dst(%dma_wait3A_27 : memref<128x32xf32, #tpu.memory_space<hbm>>)
        tpu.yield
      }) : () -> ()
    }
    return
  }
}

#map = affine_map<(d0, d1) -> (0, 0)>
#map1 = affine_map<(d0, d1) -> (0)>
#map2 = affine_map<(d0, d1) -> (0, 0, 0)>
module attributes {stable_mosaic.version = 14 : i64} {
  func.func @k(%arg0: i32, %arg1: i32, %arg2: memref<800000x32xf32, #tpu.memory_space<hbm>>, %arg3: memref<800000xi32, #tpu.memory_space<hbm>>, %arg4: memref<3125x32xf32, #tpu.memory_space<hbm>>, %arg5: memref<2x50000x32xf32, #tpu.memory_space<hbm>>, %arg6: memref<50000x32xf32, #tpu.memory_space<vmem_shared>>, %arg7: memref<128xi32, #tpu.memory_space<vmem>>, %arg8: memref<128x32xf32, #tpu.memory_space<vmem>>) attributes {dimension_semantics = [#tpu.dimension_semantics<core_parallel>, #tpu.dimension_semantics<subcore_parallel>], iteration_bounds = array<i64: 2, 16>, scalar_prefetch = 0 : i64, scratch_operands = 3 : i64, tpu.core_type = #tpu.core_type<sc_vector_subcore>, window_params = [{transform_indices = #map}, {transform_indices = #map1}, {transform_indices = #map}, {transform_indices = #map2}]} {
    %mul3A = arith.constant 3125 : i32
    %mul3A_0 = arith.muli %arg1, %mul3A : i32
    "tpu.region"() ({
      %run_scoped3A = tpu.sem_alloc : memref<!tpu.dma_semaphore, #tpu.memory_space<semaphore_mem>>
      %dma_start3A = arith.constant 0 : i32
      %dma_start3A_25 = tpu.memref_slice %arg6[%mul3A_0, %dma_start3A] : memref<50000x32xf32, #tpu.memory_space<vmem_shared>> -> memref<3125x32xf32, #tpu.memory_space<vmem_shared>>
      tpu.enqueue_dma source(%arg4 : memref<3125x32xf32, #tpu.memory_space<hbm>>) target(%dma_start3A_25 : memref<3125x32xf32, #tpu.memory_space<vmem_shared>>) target_semaphore(%run_scoped3A : memref<!tpu.dma_semaphore, #tpu.memory_space<semaphore_mem>>)
      %dma_wait3A = arith.constant 0 : i32
      %dma_wait3A_26 = tpu.memref_slice %arg6[%mul3A_0, %dma_wait3A] : memref<50000x32xf32, #tpu.memory_space<vmem_shared>> -> memref<3125x32xf32, #tpu.memory_space<vmem_shared>>
      tpu.wait_dma2 semaphore(%run_scoped3A : memref<!tpu.dma_semaphore, #tpu.memory_space<semaphore_mem>>) src(%arg4 : memref<3125x32xf32, #tpu.memory_space<hbm>>) dst(%dma_wait3A_26 : memref<3125x32xf32, #tpu.memory_space<vmem_shared>>)
      tpu.yield
    }) : () -> ()
    %barrier3A = arith.constant 0 : index
    tpu.barrier barrier_id(%barrier3A)
    %mul3A_1 = arith.constant 3125 : i32
    %mul3A_2 = arith.muli %arg0, %mul3A_1 : i32
    %mul3A_3 = arith.constant 195 : i32
    %mul3A_4 = arith.muli %arg1, %mul3A_3 : i32
    %add3A = arith.addi %mul3A_2, %mul3A_4 : i32
    %min3A = arith.constant 5 : i32
    %min3A_5 = arith.minsi %arg1, %min3A : i32
    %add3A_6 = arith.addi %add3A, %min3A_5 : i32
    %lt3A = arith.constant 5 : i32
    %lt3A_7 = arith.cmpi slt, %arg1, %lt3A : i32
    %jit3A = arith.constant 1 : i32
    %jit3A_8 = arith.constant 0 : i32
    %select_n3A = arith.select %lt3A_7, %jit3A, %jit3A_8 : i32
    %add3A_9 = arith.constant 195 : i32
    %add3A_10 = arith.addi %add3A_9, %select_n3A : i32
    %while3A = arith.constant 0 : i32
    %while3A_11 = arith.constant 0 : i32
    %while3A_12 = arith.subi %add3A_10, %while3A_11 : i32
    %while3A_13 = arith.addi %while3A_11, %while3A_12 : i32
    %while3A_14 = arith.constant 1 : i32
    %while3A_15 = arith.divsi %while3A_12, %while3A_14 : i32
    %while3A_16 = arith.muli %while3A_15, %while3A_14 : i32
    %while3A_17 = arith.addi %while3A_11, %while3A_16 : i32
    %while3A_18 = arith.constant 1 : i32
    scf.for %while3A_25 = %while3A_11 to %while3A_17 step %while3A_18  : i32 {
      %add3A_26 = arith.addi %add3A_6, %while3A_25 : i32
      %mul3A_27 = arith.constant 128 : i32
      %mul3A_28 = arith.muli %add3A_26, %mul3A_27 : i32
      %multiple_of3A = tpu.assume_multiple %mul3A_28, 128 : i32
      "tpu.region"() ({
        %run_scoped3A = tpu.sem_alloc : memref<!tpu.dma_semaphore, #tpu.memory_space<semaphore_mem>>
        %dma_start3A = tpu.memref_slice %arg3[%multiple_of3A] : memref<800000xi32, #tpu.memory_space<hbm>> -> memref<128xi32, #tpu.memory_space<hbm>>
        %dma_start3A_29 = tpu.memref_slice %arg3[%multiple_of3A] : memref<800000xi32, #tpu.memory_space<hbm>> -> memref<128xi32, #tpu.memory_space<hbm>>
        tpu.enqueue_dma source(%dma_start3A_29 : memref<128xi32, #tpu.memory_space<hbm>>) target(%arg7 : memref<128xi32, #tpu.memory_space<vmem>>) target_semaphore(%run_scoped3A : memref<!tpu.dma_semaphore, #tpu.memory_space<semaphore_mem>>)
        %dma_wait3A = tpu.memref_slice %arg3[%multiple_of3A] : memref<800000xi32, #tpu.memory_space<hbm>> -> memref<128xi32, #tpu.memory_space<hbm>>
        %dma_wait3A_30 = tpu.memref_slice %arg3[%multiple_of3A] : memref<800000xi32, #tpu.memory_space<hbm>> -> memref<128xi32, #tpu.memory_space<hbm>>
        tpu.wait_dma2 semaphore(%run_scoped3A : memref<!tpu.dma_semaphore, #tpu.memory_space<semaphore_mem>>) src(%dma_wait3A_30 : memref<128xi32, #tpu.memory_space<hbm>>) dst(%arg7 : memref<128xi32, #tpu.memory_space<vmem>>)
        tpu.yield
      }) : () -> ()
      "tpu.region"() ({
        %run_scoped3A = tpu.sem_alloc : memref<!tpu.dma_semaphore, #tpu.memory_space<semaphore_mem>>
        %dma_start3A = arith.constant 0 : i32
        %dma_start3A_29 = tpu.memref_slice %arg2[%multiple_of3A, %dma_start3A] : memref<800000x32xf32, #tpu.memory_space<hbm>> -> memref<128x32xf32, #tpu.memory_space<hbm>>
        %dma_start3A_30 = arith.constant 0 : i32
        %dma_start3A_31 = tpu.memref_slice %arg2[%multiple_of3A, %dma_start3A_30] : memref<800000x32xf32, #tpu.memory_space<hbm>> -> memref<128x32xf32, #tpu.memory_space<hbm>>
        tpu.enqueue_dma source(%dma_start3A_31 : memref<128x32xf32, #tpu.memory_space<hbm>>) target(%arg8 : memref<128x32xf32, #tpu.memory_space<vmem>>) target_semaphore(%run_scoped3A : memref<!tpu.dma_semaphore, #tpu.memory_space<semaphore_mem>>)
        %dma_wait3A = arith.constant 0 : i32
        %dma_wait3A_32 = tpu.memref_slice %arg2[%multiple_of3A, %dma_wait3A] : memref<800000x32xf32, #tpu.memory_space<hbm>> -> memref<128x32xf32, #tpu.memory_space<hbm>>
        %dma_wait3A_33 = arith.constant 0 : i32
        %dma_wait3A_34 = tpu.memref_slice %arg2[%multiple_of3A, %dma_wait3A_33] : memref<800000x32xf32, #tpu.memory_space<hbm>> -> memref<128x32xf32, #tpu.memory_space<hbm>>
        tpu.wait_dma2 semaphore(%run_scoped3A : memref<!tpu.dma_semaphore, #tpu.memory_space<semaphore_mem>>) src(%dma_wait3A_34 : memref<128x32xf32, #tpu.memory_space<hbm>>) dst(%arg8 : memref<128x32xf32, #tpu.memory_space<vmem>>)
        tpu.yield
      }) : () -> ()
      "tpu.region"() ({
        %run_scoped3A = tpu.sem_alloc : memref<!tpu.dma_semaphore, #tpu.memory_space<semaphore_mem>>
        %dma_start3A = arith.constant 0 : i32
        %dma_start3A_29 = arith.constant 0 : i32
        %dma_start3A_30 = tpu.memref_slice %arg6[%dma_start3A, %dma_start3A_29] : memref<50000x32xf32, #tpu.memory_space<vmem_shared>> -> memref<50000x32xf32, #tpu.memory_space<vmem_shared>>
        tpu.enqueue_indirect_dma source(%arg8 : memref<128x32xf32, #tpu.memory_space<vmem>>) target(%dma_start3A_30 : memref<50000x32xf32, #tpu.memory_space<vmem_shared>>) offsets(%arg7 : memref<128xi32, #tpu.memory_space<vmem>>) semaphore(%run_scoped3A : memref<!tpu.dma_semaphore, #tpu.memory_space<semaphore_mem>>) {add = true}
        %dma_wait3A = arith.constant 0 : i32
        %dma_wait3A_31 = arith.constant 0 : i32
        %dma_wait3A_32 = tpu.memref_slice %arg6[%dma_wait3A, %dma_wait3A_31] : memref<50000x32xf32, #tpu.memory_space<vmem_shared>> -> memref<50000x32xf32, #tpu.memory_space<vmem_shared>>
        tpu.wait_indirect_dma semaphore(%run_scoped3A : memref<!tpu.dma_semaphore, #tpu.memory_space<semaphore_mem>>) src(%arg8 : memref<128x32xf32, #tpu.memory_space<vmem>>) dst(%dma_wait3A_32 : memref<50000x32xf32, #tpu.memory_space<vmem_shared>>)
        tpu.yield
      }) : () -> ()
    }
    %while3A_19 = arith.constant 1 : i32
    scf.for %while3A_25 = %while3A_17 to %while3A_13 step %while3A_19  : i32 {
      %add3A_26 = arith.addi %add3A_6, %while3A_25 : i32
      %mul3A_27 = arith.constant 128 : i32
      %mul3A_28 = arith.muli %add3A_26, %mul3A_27 : i32
      %multiple_of3A = tpu.assume_multiple %mul3A_28, 128 : i32
      "tpu.region"() ({
        %run_scoped3A = tpu.sem_alloc : memref<!tpu.dma_semaphore, #tpu.memory_space<semaphore_mem>>
        %dma_start3A = tpu.memref_slice %arg3[%multiple_of3A] : memref<800000xi32, #tpu.memory_space<hbm>> -> memref<128xi32, #tpu.memory_space<hbm>>
        %dma_start3A_29 = tpu.memref_slice %arg3[%multiple_of3A] : memref<800000xi32, #tpu.memory_space<hbm>> -> memref<128xi32, #tpu.memory_space<hbm>>
        tpu.enqueue_dma source(%dma_start3A_29 : memref<128xi32, #tpu.memory_space<hbm>>) target(%arg7 : memref<128xi32, #tpu.memory_space<vmem>>) target_semaphore(%run_scoped3A : memref<!tpu.dma_semaphore, #tpu.memory_space<semaphore_mem>>)
        %dma_wait3A = tpu.memref_slice %arg3[%multiple_of3A] : memref<800000xi32, #tpu.memory_space<hbm>> -> memref<128xi32, #tpu.memory_space<hbm>>
        %dma_wait3A_30 = tpu.memref_slice %arg3[%multiple_of3A] : memref<800000xi32, #tpu.memory_space<hbm>> -> memref<128xi32, #tpu.memory_space<hbm>>
        tpu.wait_dma2 semaphore(%run_scoped3A : memref<!tpu.dma_semaphore, #tpu.memory_space<semaphore_mem>>) src(%dma_wait3A_30 : memref<128xi32, #tpu.memory_space<hbm>>) dst(%arg7 : memref<128xi32, #tpu.memory_space<vmem>>)
        tpu.yield
      }) : () -> ()
      "tpu.region"() ({
        %run_scoped3A = tpu.sem_alloc : memref<!tpu.dma_semaphore, #tpu.memory_space<semaphore_mem>>
        %dma_start3A = arith.constant 0 : i32
        %dma_start3A_29 = tpu.memref_slice %arg2[%multiple_of3A, %dma_start3A] : memref<800000x32xf32, #tpu.memory_space<hbm>> -> memref<128x32xf32, #tpu.memory_space<hbm>>
        %dma_start3A_30 = arith.constant 0 : i32
        %dma_start3A_31 = tpu.memref_slice %arg2[%multiple_of3A, %dma_start3A_30] : memref<800000x32xf32, #tpu.memory_space<hbm>> -> memref<128x32xf32, #tpu.memory_space<hbm>>
        tpu.enqueue_dma source(%dma_start3A_31 : memref<128x32xf32, #tpu.memory_space<hbm>>) target(%arg8 : memref<128x32xf32, #tpu.memory_space<vmem>>) target_semaphore(%run_scoped3A : memref<!tpu.dma_semaphore, #tpu.memory_space<semaphore_mem>>)
        %dma_wait3A = arith.constant 0 : i32
        %dma_wait3A_32 = tpu.memref_slice %arg2[%multiple_of3A, %dma_wait3A] : memref<800000x32xf32, #tpu.memory_space<hbm>> -> memref<128x32xf32, #tpu.memory_space<hbm>>
        %dma_wait3A_33 = arith.constant 0 : i32
        %dma_wait3A_34 = tpu.memref_slice %arg2[%multiple_of3A, %dma_wait3A_33] : memref<800000x32xf32, #tpu.memory_space<hbm>> -> memref<128x32xf32, #tpu.memory_space<hbm>>
        tpu.wait_dma2 semaphore(%run_scoped3A : memref<!tpu.dma_semaphore, #tpu.memory_space<semaphore_mem>>) src(%dma_wait3A_34 : memref<128x32xf32, #tpu.memory_space<hbm>>) dst(%arg8 : memref<128x32xf32, #tpu.memory_space<vmem>>)
        tpu.yield
      }) : () -> ()
      "tpu.region"() ({
        %run_scoped3A = tpu.sem_alloc : memref<!tpu.dma_semaphore, #tpu.memory_space<semaphore_mem>>
        %dma_start3A = arith.constant 0 : i32
        %dma_start3A_29 = arith.constant 0 : i32
        %dma_start3A_30 = tpu.memref_slice %arg6[%dma_start3A, %dma_start3A_29] : memref<50000x32xf32, #tpu.memory_space<vmem_shared>> -> memref<50000x32xf32, #tpu.memory_space<vmem_shared>>
        tpu.enqueue_indirect_dma source(%arg8 : memref<128x32xf32, #tpu.memory_space<vmem>>) target(%dma_start3A_30 : memref<50000x32xf32, #tpu.memory_space<vmem_shared>>) offsets(%arg7 : memref<128xi32, #tpu.memory_space<vmem>>) semaphore(%run_scoped3A : memref<!tpu.dma_semaphore, #tpu.memory_space<semaphore_mem>>) {add = true}
        %dma_wait3A = arith.constant 0 : i32
        %dma_wait3A_31 = arith.constant 0 : i32
        %dma_wait3A_32 = tpu.memref_slice %arg6[%dma_wait3A, %dma_wait3A_31] : memref<50000x32xf32, #tpu.memory_space<vmem_shared>> -> memref<50000x32xf32, #tpu.memory_space<vmem_shared>>
        tpu.wait_indirect_dma semaphore(%run_scoped3A : memref<!tpu.dma_semaphore, #tpu.memory_space<semaphore_mem>>) src(%arg8 : memref<128x32xf32, #tpu.memory_space<vmem>>) dst(%dma_wait3A_32 : memref<50000x32xf32, #tpu.memory_space<vmem_shared>>)
        tpu.yield
      }) : () -> ()
    }
    %barrier3A_20 = arith.constant 0 : index
    tpu.barrier barrier_id(%barrier3A_20)
    %mul3A_21 = arith.constant 3125 : i32
    %mul3A_22 = arith.muli %arg1, %mul3A_21 : i32
    %mul3A_23 = arith.constant 3125 : i32
    %mul3A_24 = arith.muli %arg1, %mul3A_23 : i32
    "tpu.region"() ({
      %run_scoped3A = tpu.sem_alloc : memref<!tpu.dma_semaphore, #tpu.memory_space<semaphore_mem>>
      %dma_start3A = arith.constant 0 : i32
      %dma_start3A_25 = tpu.memref_slice %arg5[%arg0, %mul3A_24, %dma_start3A] : memref<2x50000x32xf32, #tpu.memory_space<hbm>> -> memref<1x3125x32xf32, #tpu.memory_space<hbm>>
      %dma_start3A_26 = tpu.memref_squeeze %dma_start3A_25 : memref<1x3125x32xf32, #tpu.memory_space<hbm>> -> memref<3125x32xf32, #tpu.memory_space<hbm>>
      %dma_start3A_27 = arith.constant 0 : i32
      %dma_start3A_28 = tpu.memref_slice %arg6[%mul3A_22, %dma_start3A_27] : memref<50000x32xf32, #tpu.memory_space<vmem_shared>> -> memref<3125x32xf32, #tpu.memory_space<vmem_shared>>
      tpu.enqueue_dma source(%dma_start3A_28 : memref<3125x32xf32, #tpu.memory_space<vmem_shared>>) target(%dma_start3A_26 : memref<3125x32xf32, #tpu.memory_space<hbm>>) target_semaphore(%run_scoped3A : memref<!tpu.dma_semaphore, #tpu.memory_space<semaphore_mem>>)
      %dma_wait3A = arith.constant 0 : i32
      %dma_wait3A_29 = tpu.memref_slice %arg5[%arg0, %mul3A_24, %dma_wait3A] : memref<2x50000x32xf32, #tpu.memory_space<hbm>> -> memref<1x3125x32xf32, #tpu.memory_space<hbm>>
      %dma_wait3A_30 = tpu.memref_squeeze %dma_wait3A_29 : memref<1x3125x32xf32, #tpu.memory_space<hbm>> -> memref<3125x32xf32, #tpu.memory_space<hbm>>
      %dma_wait3A_31 = arith.constant 0 : i32
      %dma_wait3A_32 = tpu.memref_slice %arg6[%mul3A_22, %dma_wait3A_31] : memref<50000x32xf32, #tpu.memory_space<vmem_shared>> -> memref<3125x32xf32, #tpu.memory_space<vmem_shared>>
      tpu.wait_dma2 semaphore(%run_scoped3A : memref<!tpu.dma_semaphore, #tpu.memory_space<semaphore_mem>>) src(%dma_wait3A_32 : memref<3125x32xf32, #tpu.memory_space<vmem_shared>>) dst(%dma_wait3A_30 : memref<3125x32xf32, #tpu.memory_space<hbm>>)
      tpu.yield
    }) : () -> ()
    return
  }
}

module attributes {stable_mosaic.version = 14 : i64} {
  func.func @body(%arg0: i32, %arg1: memref<1000x1xi32, #tpu.memory_space<vmem>>, %arg2: memref<128x32xf32, #tpu.memory_space<vmem>>, %arg3: memref<1000x32xf32, #tpu.memory_space<vmem>>) attributes {dimension_semantics = [#tpu.dimension_semantics<arbitrary>], iteration_bounds = array<i64: 50>, scalar_prefetch = 0 : i64, scratch_operands = 0 : i64, tpu.core_type = #tpu.core_type<tc>, window_params = [{transform_indices = @transform_0, window_bounds = array<i64: 1000, 1>}, {pipeline_mode = #tpu.pipeline_mode<synchronous>, transform_indices = @transform_1, window_bounds = array<i64: 128, 32>}, {transform_indices = @transform_2, window_bounds = array<i64: 1000, 32>}]} {
    %get3A = arith.constant 0 : index
    %get3A_0 = arith.constant 0 : index
    %get3A_1 = vector.load %arg1[%get3A, %get3A_0] : memref<1000x1xi32, #tpu.memory_space<vmem>>, vector<1000x1xi32>
    %iota3A = tpu.iota {dimensions = array<i32: 1>} : vector<1000x128xi32>
    %eq3A = vector.broadcast %get3A_1 : vector<1000x1xi32> to vector<1000x128xi32>
    %eq3A_2 = arith.cmpi eq, %eq3A, %iota3A : vector<1000x128xi32>
    %convert_element_type3A = arith.extui %eq3A_2 : vector<1000x128xi1> to vector<1000x128xi32>
    %convert_element_type3A_3 = arith.sitofp %convert_element_type3A : vector<1000x128xi32> to vector<1000x128xf32>
    %get3A_4 = arith.constant 0 : index
    %get3A_5 = arith.constant 0 : index
    %get3A_6 = vector.load %arg2[%get3A_4, %get3A_5] : memref<128x32xf32, #tpu.memory_space<vmem>>, vector<128x32xf32>
    %dot_general3A = arith.constant dense<0.000000e+00> : vector<1000x32xf32>
    %dot_general3A_7 = tpu.matmul %convert_element_type3A_3, %get3A_6, %dot_general3A {dimension_numbers = #tpu.dot_dimension_numbers<[1], [0], [0], [1], [0, 0, 1, 1], [], []>, transpose_lhs_hint = false} : vector<1000x128xf32>, vector<128x32xf32>, vector<1000x32xf32> -> vector<1000x32xf32>
    %swap3A = arith.constant 0 : index
    %swap3A_8 = arith.constant 0 : index
    %swap3A_9 = vector.load %arg3[%swap3A, %swap3A_8] : memref<1000x32xf32, #tpu.memory_space<vmem>>, vector<1000x32xf32>
    tpu.vector_store %arg3[%swap3A, %swap3A_8], %dot_general3A_7 {strides = array<i32>} : memref<1000x32xf32, #tpu.memory_space<vmem>>, vector<1000x32xf32>,
    return
  }
  func.func @transform_0(%arg0: i32) -> (i32, i32) {
    %c0_i32 = arith.constant 0 : i32
    %c0_i32_0 = arith.constant 0 : i32
    return %arg0, %c0_i32 : i32, i32
  }
  func.func @transform_1(%arg0: i32) -> (i32, i32) {
    %c0_i32 = arith.constant 0 : i32
    %c0_i32_0 = arith.constant 0 : i32
    %c0_i32_1 = arith.constant 0 : i32
    return %c0_i32, %c0_i32_0 : i32, i32
  }
  func.func @transform_2(%arg0: i32) -> (i32, i32) {
    %c0_i32 = arith.constant 0 : i32
    %c0_i32_0 = arith.constant 0 : i32
    return %arg0, %c0_i32 : i32, i32
  }
}

module attributes {stable_mosaic.version = 14 : i64} {
  func.func @body(%arg0: i32, %arg1: memref<1280x8xf32, #tpu.memory_space<vmem>>, %arg2: memref<1280x8xf32, #tpu.memory_space<vmem>>, %arg3: memref<1280x32xf32, #tpu.memory_space<vmem>>, %arg4: memref<32x32xf32, #tpu.memory_space<vmem>>, %arg5: memref<1x32xf32, #tpu.memory_space<vmem>>, %arg6: memref<5x1x32xi32, #tpu.memory_space<vmem>>, %arg7: memref<1280x32xf32, #tpu.memory_space<vmem>>, %arg8: memref<1280x1xf32, #tpu.memory_space<vmem>>) attributes {dimension_semantics = [#tpu.dimension_semantics<arbitrary>], iteration_bounds = array<i64: 625>, scalar_prefetch = 0 : i64, scratch_operands = 0 : i64, tpu.core_type = #tpu.core_type<tc>, window_params = [{transform_indices = @transform_0, window_bounds = array<i64: 1280, 8>}, {transform_indices = @transform_1, window_bounds = array<i64: 1280, 8>}, {transform_indices = @transform_2, window_bounds = array<i64: 1280, 32>}, {pipeline_mode = #tpu.pipeline_mode<synchronous>, transform_indices = @transform_3, window_bounds = array<i64: 32, 32>}, {pipeline_mode = #tpu.pipeline_mode<synchronous>, transform_indices = @transform_4, window_bounds = array<i64: 1, 32>}, {pipeline_mode = #tpu.pipeline_mode<synchronous>, transform_indices = @transform_5, window_bounds = array<i64: 5, 1, 32>}, {transform_indices = @transform_6, window_bounds = array<i64: 1280, 32>}, {transform_indices = @transform_7, window_bounds = array<i64: 1280, 1>}]} {
    %get3A = arith.constant 0 : index
    %get3A_0 = arith.constant 0 : index
    %get3A_1 = vector.load %arg1[%get3A, %get3A_0] : memref<1280x8xf32, #tpu.memory_space<vmem>>, vector<1280x8xf32>
    %get3A_2 = arith.constant 0 : index
    %get3A_3 = arith.constant 0 : index
    %get3A_4 = vector.load %arg2[%get3A_2, %get3A_3] : memref<1280x8xf32, #tpu.memory_space<vmem>>, vector<1280x8xf32>
    %sub3A = arith.subf %get3A_1, %get3A_4 : vector<1280x8xf32>
    %mul3A = arith.mulf %sub3A, %sub3A : vector<1280x8xf32>
    %reduce_sum3A = arith.constant dense<0.000000e+00> : vector<1280xf32>
    %reduce_sum3A_5 = vector.multi_reduction <add>, %mul3A, %reduce_sum3A [1] : vector<1280x8xf32> to vector<1280xf32>
    %broadcast_in_dim3A = vector.shape_cast %reduce_sum3A_5 : vector<1280xf32> to vector<1280x1xf32>
    %add3A = arith.constant 9.99999996E-13 : f32
    %add3A_6 = vector.broadcast %add3A : f32 to vector<1280x1xf32>
    %add3A_7 = arith.addf %broadcast_in_dim3A, %add3A_6 : vector<1280x1xf32>
    %sqrt3A = math.sqrt %add3A_7 : vector<1280x1xf32>
    %get3A_8 = arith.constant 0 : index
    %get3A_9 = arith.constant 0 : index
    %get3A_10 = vector.load %arg5[%get3A_8, %get3A_9] : memref<1x32xf32, #tpu.memory_space<vmem>>, vector<1x32xf32>
    %get3A_11 = arith.constant 0 : index
    %get3A_12 = arith.constant 0 : index
    %get3A_13 = arith.constant 0 : index
    %get3A_14 = vector.load %arg6[%get3A_11, %get3A_12, %get3A_13] : memref<5x1x32xi32, #tpu.memory_space<vmem>>, vector<5x1x32xi32>
    %ne3A = arith.constant 0 : i32
    %ne3A_15 = vector.broadcast %ne3A : i32 to vector<5x1x32xi32>
    %ne3A_16 = arith.cmpi ne, %get3A_14, %ne3A_15 : vector<5x1x32xi32>
    %add3A_17 = arith.constant 1.000000e+00 : f32
    %add3A_18 = vector.broadcast %add3A_17 : f32 to vector<1280x1xf32>
    %add3A_19 = arith.addf %sqrt3A, %add3A_18 : vector<1280x1xf32>
    %div3A = arith.divf %sqrt3A, %add3A_19 : vector<1280x1xf32>
    %jit3A = arith.constant 9.99999997E-7 : f32
    %jit3A_20 = arith.constant 0.999998986 : f32
    %max3A = vector.broadcast %jit3A : f32 to vector<1280x1xf32>
    %max3A_21 = arith.maximumf %max3A, %div3A : vector<1280x1xf32>
    %min3A = vector.broadcast %jit3A_20 : f32 to vector<1280x1xf32>
    %min3A_22 = arith.minimumf %min3A, %max3A_21 : vector<1280x1xf32>
    %sub3A_23 = arith.constant 1.000000e+00 : f32
    %sub3A_24 = vector.broadcast %sub3A_23 : f32 to vector<1280x1xf32>
    %sub3A_25 = arith.subf %sub3A_24, %min3A_22 : vector<1280x1xf32>
    %slice3A = vector.extract_strided_slice %ne3A_16 {offsets = [0, 0, 0], sizes = [1, 1, 32], strides = [1, 1, 1]} : vector<5x1x32xi1> to vector<1x1x32xi1>
    %squeeze3A = vector.shape_cast %slice3A : vector<1x1x32xi1> to vector<1x32xi1>
    %broadcast_in_dim3A_26 = vector.shape_cast %squeeze3A : vector<1x32xi1> to vector<1x32xi1>
    %broadcast_in_dim3A_27 = vector.broadcast %broadcast_in_dim3A_26 : vector<1x32xi1> to vector<1280x32xi1>
    %broadcast_in_dim3A_28 = vector.shape_cast %min3A_22 : vector<1280x1xf32> to vector<1280x1xf32>
    %broadcast_in_dim3A_29 = vector.broadcast %broadcast_in_dim3A_28 : vector<1280x1xf32> to vector<1280x32xf32>
    %broadcast_in_dim3A_30 = vector.shape_cast %sub3A_25 : vector<1280x1xf32> to vector<1280x1xf32>
    %broadcast_in_dim3A_31 = vector.broadcast %broadcast_in_dim3A_30 : vector<1280x1xf32> to vector<1280x32xf32>
    %select_n3A = arith.select %broadcast_in_dim3A_27, %broadcast_in_dim3A_29, %broadcast_in_dim3A_31 : vector<1280x32xi1>, vector<1280x32xf32>
    %mul3A_32 = vector.broadcast %get3A_10 : vector<1x32xf32> to vector<1280x32xf32>
    %mul3A_33 = arith.mulf %mul3A_32, %select_n3A : vector<1280x32xf32>
    %mul3A_34 = arith.mulf %min3A_22, %min3A_22 : vector<1280x1xf32>
    %mul3A_35 = arith.mulf %sub3A_25, %sub3A_25 : vector<1280x1xf32>
    %slice3A_36 = vector.extract_strided_slice %ne3A_16 {offsets = [1, 0, 0], sizes = [1, 1, 32], strides = [1, 1, 1]} : vector<5x1x32xi1> to vector<1x1x32xi1>
    %squeeze3A_37 = vector.shape_cast %slice3A_36 : vector<1x1x32xi1> to vector<1x32xi1>
    %broadcast_in_dim3A_38 = vector.shape_cast %squeeze3A_37 : vector<1x32xi1> to vector<1x32xi1>
    %broadcast_in_dim3A_39 = vector.broadcast %broadcast_in_dim3A_38 : vector<1x32xi1> to vector<1280x32xi1>
    %broadcast_in_dim3A_40 = vector.shape_cast %mul3A_34 : vector<1280x1xf32> to vector<1280x1xf32>
    %broadcast_in_dim3A_41 = vector.broadcast %broadcast_in_dim3A_40 : vector<1280x1xf32> to vector<1280x32xf32>
    %broadcast_in_dim3A_42 = vector.shape_cast %mul3A_35 : vector<1280x1xf32> to vector<1280x1xf32>
    %broadcast_in_dim3A_43 = vector.broadcast %broadcast_in_dim3A_42 : vector<1280x1xf32> to vector<1280x32xf32>
    %select_n3A_44 = arith.select %broadcast_in_dim3A_39, %broadcast_in_dim3A_41, %broadcast_in_dim3A_43 : vector<1280x32xi1>, vector<1280x32xf32>
    %mul3A_45 = arith.mulf %mul3A_33, %select_n3A_44 : vector<1280x32xf32>
    %mul3A_46 = arith.mulf %mul3A_34, %mul3A_34 : vector<1280x1xf32>
    %mul3A_47 = arith.mulf %mul3A_35, %mul3A_35 : vector<1280x1xf32>
    %slice3A_48 = vector.extract_strided_slice %ne3A_16 {offsets = [2, 0, 0], sizes = [1, 1, 32], strides = [1, 1, 1]} : vector<5x1x32xi1> to vector<1x1x32xi1>
    %squeeze3A_49 = vector.shape_cast %slice3A_48 : vector<1x1x32xi1> to vector<1x32xi1>
    %broadcast_in_dim3A_50 = vector.shape_cast %squeeze3A_49 : vector<1x32xi1> to vector<1x32xi1>
    %broadcast_in_dim3A_51 = vector.broadcast %broadcast_in_dim3A_50 : vector<1x32xi1> to vector<1280x32xi1>
    %broadcast_in_dim3A_52 = vector.shape_cast %mul3A_46 : vector<1280x1xf32> to vector<1280x1xf32>
    %broadcast_in_dim3A_53 = vector.broadcast %broadcast_in_dim3A_52 : vector<1280x1xf32> to vector<1280x32xf32>
    %broadcast_in_dim3A_54 = vector.shape_cast %mul3A_47 : vector<1280x1xf32> to vector<1280x1xf32>
    %broadcast_in_dim3A_55 = vector.broadcast %broadcast_in_dim3A_54 : vector<1280x1xf32> to vector<1280x32xf32>
    %select_n3A_56 = arith.select %broadcast_in_dim3A_51, %broadcast_in_dim3A_53, %broadcast_in_dim3A_55 : vector<1280x32xi1>, vector<1280x32xf32>
    %mul3A_57 = arith.mulf %mul3A_45, %select_n3A_56 : vector<1280x32xf32>
    %mul3A_58 = arith.mulf %mul3A_46, %mul3A_46 : vector<1280x1xf32>
    %mul3A_59 = arith.mulf %mul3A_47, %mul3A_47 : vector<1280x1xf32>
    %slice3A_60 = vector.extract_strided_slice %ne3A_16 {offsets = [3, 0, 0], sizes = [1, 1, 32], strides = [1, 1, 1]} : vector<5x1x32xi1> to vector<1x1x32xi1>
    %squeeze3A_61 = vector.shape_cast %slice3A_60 : vector<1x1x32xi1> to vector<1x32xi1>
    %broadcast_in_dim3A_62 = vector.shape_cast %squeeze3A_61 : vector<1x32xi1> to vector<1x32xi1>
    %broadcast_in_dim3A_63 = vector.broadcast %broadcast_in_dim3A_62 : vector<1x32xi1> to vector<1280x32xi1>
    %broadcast_in_dim3A_64 = vector.shape_cast %mul3A_58 : vector<1280x1xf32> to vector<1280x1xf32>
    %broadcast_in_dim3A_65 = vector.broadcast %broadcast_in_dim3A_64 : vector<1280x1xf32> to vector<1280x32xf32>
    %broadcast_in_dim3A_66 = vector.shape_cast %mul3A_59 : vector<1280x1xf32> to vector<1280x1xf32>
    %broadcast_in_dim3A_67 = vector.broadcast %broadcast_in_dim3A_66 : vector<1280x1xf32> to vector<1280x32xf32>
    %select_n3A_68 = arith.select %broadcast_in_dim3A_63, %broadcast_in_dim3A_65, %broadcast_in_dim3A_67 : vector<1280x32xi1>, vector<1280x32xf32>
    %mul3A_69 = arith.mulf %mul3A_57, %select_n3A_68 : vector<1280x32xf32>
    %mul3A_70 = arith.mulf %mul3A_58, %mul3A_58 : vector<1280x1xf32>
    %mul3A_71 = arith.mulf %mul3A_59, %mul3A_59 : vector<1280x1xf32>
    %slice3A_72 = vector.extract_strided_slice %ne3A_16 {offsets = [4, 0, 0], sizes = [1, 1, 32], strides = [1, 1, 1]} : vector<5x1x32xi1> to vector<1x1x32xi1>
    %squeeze3A_73 = vector.shape_cast %slice3A_72 : vector<1x1x32xi1> to vector<1x32xi1>
    %broadcast_in_dim3A_74 = vector.shape_cast %squeeze3A_73 : vector<1x32xi1> to vector<1x32xi1>
    %broadcast_in_dim3A_75 = vector.broadcast %broadcast_in_dim3A_74 : vector<1x32xi1> to vector<1280x32xi1>
    %broadcast_in_dim3A_76 = vector.shape_cast %mul3A_70 : vector<1280x1xf32> to vector<1280x1xf32>
    %broadcast_in_dim3A_77 = vector.broadcast %broadcast_in_dim3A_76 : vector<1280x1xf32> to vector<1280x32xf32>
    %broadcast_in_dim3A_78 = vector.shape_cast %mul3A_71 : vector<1280x1xf32> to vector<1280x1xf32>
    %broadcast_in_dim3A_79 = vector.broadcast %broadcast_in_dim3A_78 : vector<1280x1xf32> to vector<1280x32xf32>
    %select_n3A_80 = arith.select %broadcast_in_dim3A_75, %broadcast_in_dim3A_77, %broadcast_in_dim3A_79 : vector<1280x32xi1>, vector<1280x32xf32>
    %mul3A_81 = arith.mulf %mul3A_69, %select_n3A_80 : vector<1280x32xf32>
    %mul3A_82 = arith.constant 2.000000e-01 : f32
    %mul3A_83 = vector.broadcast %mul3A_82 : f32 to vector<1280x1xf32>
    %mul3A_84 = arith.mulf %sqrt3A, %mul3A_83 : vector<1280x1xf32>
    %lt3A = arith.constant 1.000000e+00 : f32
    %lt3A_85 = vector.broadcast %lt3A : f32 to vector<1280x1xf32>
    %lt3A_86 = arith.cmpf olt, %mul3A_84, %lt3A_85 : vector<1280x1xf32>
    %jit3A_87 = arith.constant 0.000000e+00 : f32
    %broadcast_in_dim3A_88 = vector.broadcast %jit3A_87 : f32 to vector<1280x1xf32>
    %select_n3A_89 = arith.select %lt3A_86, %mul3A_84, %broadcast_in_dim3A_88 : vector<1280x1xi1>, vector<1280x1xf32>
    %mul3A_90 = arith.mulf %select_n3A_89, %select_n3A_89 : vector<1280x1xf32>
    %sub3A_91 = arith.constant 1.000000e+00 : f32
    %sub3A_92 = vector.broadcast %sub3A_91 : f32 to vector<1280x1xf32>
    %sub3A_93 = arith.subf %sub3A_92, %mul3A_90 : vector<1280x1xf32>
    %add3A_94 = arith.constant 9.99999996E-13 : f32
    %add3A_95 = vector.broadcast %add3A_94 : f32 to vector<1280x1xf32>
    %add3A_96 = arith.addf %sub3A_93, %add3A_95 : vector<1280x1xf32>
    %div3A_97 = arith.constant 1.000000e+00 : f32
    %div3A_98 = vector.broadcast %div3A_97 : f32 to vector<1280x1xf32>
    %div3A_99 = arith.divf %div3A_98, %add3A_96 : vector<1280x1xf32>
    %sub3A_100 = arith.constant 1.000000e+00 : f32
    %sub3A_101 = vector.broadcast %sub3A_100 : f32 to vector<1280x1xf32>
    %sub3A_102 = arith.subf %sub3A_101, %div3A_99 : vector<1280x1xf32>
    %exp3A = math.exp %sub3A_102 : vector<1280x1xf32>
    %jit3A_103 = arith.constant 0.000000e+00 : f32
    %broadcast_in_dim3A_104 = vector.broadcast %jit3A_103 : f32 to vector<1280x1xf32>
    %select_n3A_105 = arith.select %lt3A_86, %exp3A, %broadcast_in_dim3A_104 : vector<1280x1xi1>, vector<1280x1xf32>
    %mul3A_106 = vector.broadcast %select_n3A_105 : vector<1280x1xf32> to vector<1280x32xf32>
    %mul3A_107 = arith.mulf %mul3A_81, %mul3A_106 : vector<1280x32xf32>
    %get3A_108 = arith.constant 0 : index
    %get3A_109 = arith.constant 0 : index
    %get3A_110 = vector.load %arg4[%get3A_108, %get3A_109] : memref<32x32xf32, #tpu.memory_space<vmem>>, vector<32x32xf32>
    %dot_general3A = arith.constant dense<0.000000e+00> : vector<1280x32xf32>
    %dot_general3A_111 = tpu.matmul %mul3A_107, %get3A_110, %dot_general3A {dimension_numbers = #tpu.dot_dimension_numbers<[1], [0], [0], [1], [0, 0, 1, 1], [], []>, transpose_lhs_hint = false} : vector<1280x32xf32>, vector<32x32xf32>, vector<1280x32xf32> -> vector<1280x32xf32>
    %get3A_112 = arith.constant 0 : index
    %get3A_113 = arith.constant 0 : index
    %get3A_114 = vector.load %arg3[%get3A_112, %get3A_113] : memref<1280x32xf32, #tpu.memory_space<vmem>>, vector<1280x32xf32>
    %mul3A_115 = arith.mulf %dot_general3A_111, %get3A_114 : vector<1280x32xf32>
    %swap3A = arith.constant 0 : index
    %swap3A_116 = arith.constant 0 : index
    %swap3A_117 = vector.load %arg7[%swap3A, %swap3A_116] : memref<1280x32xf32, #tpu.memory_space<vmem>>, vector<1280x32xf32>
    tpu.vector_store %arg7[%swap3A, %swap3A_116], %mul3A_115 {strides = array<i32>} : memref<1280x32xf32, #tpu.memory_space<vmem>>, vector<1280x32xf32>,
    %swap3A_118 = arith.constant 0 : index
    %swap3A_119 = arith.constant 0 : index
    %swap3A_120 = vector.load %arg8[%swap3A_118, %swap3A_119] : memref<1280x1xf32, #tpu.memory_space<vmem>>, vector<1280x1xf32>
    tpu.vector_store %arg8[%swap3A_118, %swap3A_119], %sqrt3A {strides = array<i32>} : memref<1280x1xf32, #tpu.memory_space<vmem>>, vector<1280x1xf32>,
    return
  }
  func.func @transform_0(%arg0: i32) -> (i32, i32) {
    %c0_i32 = arith.constant 0 : i32
    %c0_i32_0 = arith.constant 0 : i32
    return %arg0, %c0_i32 : i32, i32
  }
  func.func @transform_1(%arg0: i32) -> (i32, i32) {
    %c0_i32 = arith.constant 0 : i32
    %c0_i32_0 = arith.constant 0 : i32
    return %arg0, %c0_i32 : i32, i32
  }
  func.func @transform_2(%arg0: i32) -> (i32, i32) {
    %c0_i32 = arith.constant 0 : i32
    %c0_i32_0 = arith.constant 0 : i32
    return %arg0, %c0_i32 : i32, i32
  }
  func.func @transform_3(%arg0: i32) -> (i32, i32) {
    %c0_i32 = arith.constant 0 : i32
    %c0_i32_0 = arith.constant 0 : i32
    %c0_i32_1 = arith.constant 0 : i32
    return %c0_i32, %c0_i32_0 : i32, i32
  }
  func.func @transform_4(%arg0: i32) -> (i32, i32) {
    %c0_i32 = arith.constant 0 : i32
    %c0_i32_0 = arith.constant 0 : i32
    %c0_i32_1 = arith.constant 0 : i32
    return %c0_i32, %c0_i32_0 : i32, i32
  }
  func.func @transform_5(%arg0: i32) -> (i32, i32, i32) {
    %c0_i32 = arith.constant 0 : i32
    %c0_i32_0 = arith.constant 0 : i32
    %c0_i32_1 = arith.constant 0 : i32
    %c0_i32_2 = arith.constant 0 : i32
    return %c0_i32, %c0_i32_0, %c0_i32_1 : i32, i32, i32
  }
  func.func @transform_6(%arg0: i32) -> (i32, i32) {
    %c0_i32 = arith.constant 0 : i32
    %c0_i32_0 = arith.constant 0 : i32
    return %arg0, %c0_i32 : i32, i32
  }
  func.func @transform_7(%arg0: i32) -> (i32, i32) {
    %c0_i32 = arith.constant 0 : i32
    %c0_i32_0 = arith.constant 0 : i32
    return %arg0, %c0_i32 : i32, i32
  }
}

module attributes {stable_mosaic.version = 14 : i64} {
  func.func @body(%arg0: i32, %arg1: memref<1000x32xf32, #tpu.memory_space<vmem>>, %arg2: memref<2x1000x32xf32, #tpu.memory_space<vmem>>, %arg3: memref<32x32xf32, #tpu.memory_space<vmem>>, %arg4: memref<32x32xf32, #tpu.memory_space<vmem>>, %arg5: memref<1000x32xf32, #tpu.memory_space<vmem>>) attributes {dimension_semantics = [#tpu.dimension_semantics<arbitrary>], iteration_bounds = array<i64: 50>, scalar_prefetch = 0 : i64, scratch_operands = 0 : i64, tpu.core_type = #tpu.core_type<tc>, window_params = [{transform_indices = @transform_0, window_bounds = array<i64: 1000, 32>}, {transform_indices = @transform_1, window_bounds = array<i64: 2, 1000, 32>}, {pipeline_mode = #tpu.pipeline_mode<synchronous>, transform_indices = @transform_2, window_bounds = array<i64: 32, 32>}, {pipeline_mode = #tpu.pipeline_mode<synchronous>, transform_indices = @transform_3, window_bounds = array<i64: 32, 32>}, {transform_indices = @transform_4, window_bounds = array<i64: 1000, 32>}]} {
    %get3A = arith.constant 0 : index
    %get3A_0 = arith.constant 0 : index
    %get3A_1 = vector.load %arg1[%get3A, %get3A_0] : memref<1000x32xf32, #tpu.memory_space<vmem>>, vector<1000x32xf32>
    %get3A_2 = arith.constant 0 : index
    %get3A_3 = arith.constant 0 : index
    %get3A_4 = arith.constant 0 : index
    %get3A_5 = vector.load %arg2[%get3A_2, %get3A_3, %get3A_4] : memref<2x1000x32xf32, #tpu.memory_space<vmem>>, vector<1x1000x32xf32>
    %get3A_6 = vector.shape_cast %get3A_5 : vector<1x1000x32xf32> to vector<1000x32xf32>
    %add3A = arith.addf %get3A_1, %get3A_6 : vector<1000x32xf32>
    %get3A_7 = arith.constant 1 : index
    %get3A_8 = arith.constant 0 : index
    %get3A_9 = arith.constant 0 : index
    %get3A_10 = vector.load %arg2[%get3A_7, %get3A_8, %get3A_9] : memref<2x1000x32xf32, #tpu.memory_space<vmem>>, vector<1x1000x32xf32>
    %get3A_11 = vector.shape_cast %get3A_10 : vector<1x1000x32xf32> to vector<1000x32xf32>
    %add3A_12 = arith.addf %add3A, %get3A_11 : vector<1000x32xf32>
    %get3A_13 = arith.constant 0 : index
    %get3A_14 = arith.constant 0 : index
    %get3A_15 = vector.load %arg3[%get3A_13, %get3A_14] : memref<32x32xf32, #tpu.memory_space<vmem>>, vector<32x32xf32>
    %dot_general3A = arith.constant dense<0.000000e+00> : vector<1000x32xf32>
    %dot_general3A_16 = tpu.matmul %add3A_12, %get3A_15, %dot_general3A {dimension_numbers = #tpu.dot_dimension_numbers<[1], [0], [0], [1], [0, 0, 1, 1], [], []>, transpose_lhs_hint = false} : vector<1000x32xf32>, vector<32x32xf32>, vector<1000x32xf32> -> vector<1000x32xf32>
    %logistic3A = arith.negf %dot_general3A_16 : vector<1000x32xf32>
    %logistic3A_17 = math.exp %logistic3A : vector<1000x32xf32>
    %logistic3A_18 = arith.constant 1.000000e+00 : f32
    %logistic3A_19 = vector.broadcast %logistic3A_18 : f32 to vector<1000x32xf32>
    %logistic3A_20 = arith.addf %logistic3A_19, %logistic3A_17 : vector<1000x32xf32>
    %logistic3A_21 = arith.divf %logistic3A_19, %logistic3A_20 : vector<1000x32xf32>
    %mul3A = arith.mulf %dot_general3A_16, %logistic3A_21 : vector<1000x32xf32>
    %get3A_22 = arith.constant 0 : index
    %get3A_23 = arith.constant 0 : index
    %get3A_24 = vector.load %arg4[%get3A_22, %get3A_23] : memref<32x32xf32, #tpu.memory_space<vmem>>, vector<32x32xf32>
    %dot_general3A_25 = arith.constant dense<0.000000e+00> : vector<1000x32xf32>
    %dot_general3A_26 = tpu.matmul %mul3A, %get3A_24, %dot_general3A_25 {dimension_numbers = #tpu.dot_dimension_numbers<[1], [0], [0], [1], [0, 0, 1, 1], [], []>, transpose_lhs_hint = false} : vector<1000x32xf32>, vector<32x32xf32>, vector<1000x32xf32> -> vector<1000x32xf32>
    %swap3A = arith.constant 0 : index
    %swap3A_27 = arith.constant 0 : index
    %swap3A_28 = vector.load %arg5[%swap3A, %swap3A_27] : memref<1000x32xf32, #tpu.memory_space<vmem>>, vector<1000x32xf32>
    tpu.vector_store %arg5[%swap3A, %swap3A_27], %dot_general3A_26 {strides = array<i32>} : memref<1000x32xf32, #tpu.memory_space<vmem>>, vector<1000x32xf32>,
    return
  }
  func.func @transform_0(%arg0: i32) -> (i32, i32) {
    %c0_i32 = arith.constant 0 : i32
    %c0_i32_0 = arith.constant 0 : i32
    return %arg0, %c0_i32 : i32, i32
  }
  func.func @transform_1(%arg0: i32) -> (i32, i32, i32) {
    %c0_i32 = arith.constant 0 : i32
    %c0_i32_0 = arith.constant 0 : i32
    %c0_i32_1 = arith.constant 0 : i32
    return %c0_i32, %arg0, %c0_i32_0 : i32, i32, i32
  }
  func.func @transform_2(%arg0: i32) -> (i32, i32) {
    %c0_i32 = arith.constant 0 : i32
    %c0_i32_0 = arith.constant 0 : i32
    %c0_i32_1 = arith.constant 0 : i32
    return %c0_i32, %c0_i32_0 : i32, i32
  }
  func.func @transform_3(%arg0: i32) -> (i32, i32) {
    %c0_i32 = arith.constant 0 : i32
    %c0_i32_0 = arith.constant 0 : i32
    %c0_i32_1 = arith.constant 0 : i32
    return %c0_i32, %c0_i32_0 : i32, i32
  }
  func.func @transform_4(%arg0: i32) -> (i32, i32) {
    %c0_i32 = arith.constant 0 : i32
    %c0_i32_0 = arith.constant 0 : i32
    return %arg0, %c0_i32 : i32, i32
  }
}

module attributes {stable_mosaic.version = 14 : i64} {
  func.func @body(%arg0: i32, %arg1: memref<1280x1xf32, #tpu.memory_space<vmem>>, %arg2: memref<1280x32xf32, #tpu.memory_space<vmem>>, %arg3: memref<32x32xf32, #tpu.memory_space<vmem>>, %arg4: memref<1x32xf32, #tpu.memory_space<vmem>>, %arg5: memref<5x1x32xi32, #tpu.memory_space<vmem>>, %arg6: memref<1280x32xf32, #tpu.memory_space<vmem>>) attributes {dimension_semantics = [#tpu.dimension_semantics<arbitrary>], iteration_bounds = array<i64: 625>, scalar_prefetch = 0 : i64, scratch_operands = 0 : i64, tpu.core_type = #tpu.core_type<tc>, window_params = [{transform_indices = @transform_0, window_bounds = array<i64: 1280, 1>}, {transform_indices = @transform_1, window_bounds = array<i64: 1280, 32>}, {pipeline_mode = #tpu.pipeline_mode<synchronous>, transform_indices = @transform_2, window_bounds = array<i64: 32, 32>}, {pipeline_mode = #tpu.pipeline_mode<synchronous>, transform_indices = @transform_3, window_bounds = array<i64: 1, 32>}, {pipeline_mode = #tpu.pipeline_mode<synchronous>, transform_indices = @transform_4, window_bounds = array<i64: 5, 1, 32>}, {transform_indices = @transform_5, window_bounds = array<i64: 1280, 32>}]} {
    %get3A = arith.constant 0 : index
    %get3A_0 = arith.constant 0 : index
    %get3A_1 = vector.load %arg1[%get3A, %get3A_0] : memref<1280x1xf32, #tpu.memory_space<vmem>>, vector<1280x1xf32>
    %get3A_2 = arith.constant 0 : index
    %get3A_3 = arith.constant 0 : index
    %get3A_4 = vector.load %arg4[%get3A_2, %get3A_3] : memref<1x32xf32, #tpu.memory_space<vmem>>, vector<1x32xf32>
    %get3A_5 = arith.constant 0 : index
    %get3A_6 = arith.constant 0 : index
    %get3A_7 = arith.constant 0 : index
    %get3A_8 = vector.load %arg5[%get3A_5, %get3A_6, %get3A_7] : memref<5x1x32xi32, #tpu.memory_space<vmem>>, vector<5x1x32xi32>
    %ne3A = arith.constant 0 : i32
    %ne3A_9 = vector.broadcast %ne3A : i32 to vector<5x1x32xi32>
    %ne3A_10 = arith.cmpi ne, %get3A_8, %ne3A_9 : vector<5x1x32xi32>
    %add3A = arith.constant 1.000000e+00 : f32
    %add3A_11 = vector.broadcast %add3A : f32 to vector<1280x1xf32>
    %add3A_12 = arith.addf %get3A_1, %add3A_11 : vector<1280x1xf32>
    %div3A = arith.divf %get3A_1, %add3A_12 : vector<1280x1xf32>
    %jit3A = arith.constant 9.99999997E-7 : f32
    %jit3A_13 = arith.constant 0.999998986 : f32
    %max3A = vector.broadcast %jit3A : f32 to vector<1280x1xf32>
    %max3A_14 = arith.maximumf %max3A, %div3A : vector<1280x1xf32>
    %min3A = vector.broadcast %jit3A_13 : f32 to vector<1280x1xf32>
    %min3A_15 = arith.minimumf %min3A, %max3A_14 : vector<1280x1xf32>
    %sub3A = arith.constant 1.000000e+00 : f32
    %sub3A_16 = vector.broadcast %sub3A : f32 to vector<1280x1xf32>
    %sub3A_17 = arith.subf %sub3A_16, %min3A_15 : vector<1280x1xf32>
    %slice3A = vector.extract_strided_slice %ne3A_10 {offsets = [0, 0, 0], sizes = [1, 1, 32], strides = [1, 1, 1]} : vector<5x1x32xi1> to vector<1x1x32xi1>
    %squeeze3A = vector.shape_cast %slice3A : vector<1x1x32xi1> to vector<1x32xi1>
    %broadcast_in_dim3A = vector.shape_cast %squeeze3A : vector<1x32xi1> to vector<1x32xi1>
    %broadcast_in_dim3A_18 = vector.broadcast %broadcast_in_dim3A : vector<1x32xi1> to vector<1280x32xi1>
    %broadcast_in_dim3A_19 = vector.shape_cast %min3A_15 : vector<1280x1xf32> to vector<1280x1xf32>
    %broadcast_in_dim3A_20 = vector.broadcast %broadcast_in_dim3A_19 : vector<1280x1xf32> to vector<1280x32xf32>
    %broadcast_in_dim3A_21 = vector.shape_cast %sub3A_17 : vector<1280x1xf32> to vector<1280x1xf32>
    %broadcast_in_dim3A_22 = vector.broadcast %broadcast_in_dim3A_21 : vector<1280x1xf32> to vector<1280x32xf32>
    %select_n3A = arith.select %broadcast_in_dim3A_18, %broadcast_in_dim3A_20, %broadcast_in_dim3A_22 : vector<1280x32xi1>, vector<1280x32xf32>
    %mul3A = vector.broadcast %get3A_4 : vector<1x32xf32> to vector<1280x32xf32>
    %mul3A_23 = arith.mulf %mul3A, %select_n3A : vector<1280x32xf32>
    %mul3A_24 = arith.mulf %min3A_15, %min3A_15 : vector<1280x1xf32>
    %mul3A_25 = arith.mulf %sub3A_17, %sub3A_17 : vector<1280x1xf32>
    %slice3A_26 = vector.extract_strided_slice %ne3A_10 {offsets = [1, 0, 0], sizes = [1, 1, 32], strides = [1, 1, 1]} : vector<5x1x32xi1> to vector<1x1x32xi1>
    %squeeze3A_27 = vector.shape_cast %slice3A_26 : vector<1x1x32xi1> to vector<1x32xi1>
    %broadcast_in_dim3A_28 = vector.shape_cast %squeeze3A_27 : vector<1x32xi1> to vector<1x32xi1>
    %broadcast_in_dim3A_29 = vector.broadcast %broadcast_in_dim3A_28 : vector<1x32xi1> to vector<1280x32xi1>
    %broadcast_in_dim3A_30 = vector.shape_cast %mul3A_24 : vector<1280x1xf32> to vector<1280x1xf32>
    %broadcast_in_dim3A_31 = vector.broadcast %broadcast_in_dim3A_30 : vector<1280x1xf32> to vector<1280x32xf32>
    %broadcast_in_dim3A_32 = vector.shape_cast %mul3A_25 : vector<1280x1xf32> to vector<1280x1xf32>
    %broadcast_in_dim3A_33 = vector.broadcast %broadcast_in_dim3A_32 : vector<1280x1xf32> to vector<1280x32xf32>
    %select_n3A_34 = arith.select %broadcast_in_dim3A_29, %broadcast_in_dim3A_31, %broadcast_in_dim3A_33 : vector<1280x32xi1>, vector<1280x32xf32>
    %mul3A_35 = arith.mulf %mul3A_23, %select_n3A_34 : vector<1280x32xf32>
    %mul3A_36 = arith.mulf %mul3A_24, %mul3A_24 : vector<1280x1xf32>
    %mul3A_37 = arith.mulf %mul3A_25, %mul3A_25 : vector<1280x1xf32>
    %slice3A_38 = vector.extract_strided_slice %ne3A_10 {offsets = [2, 0, 0], sizes = [1, 1, 32], strides = [1, 1, 1]} : vector<5x1x32xi1> to vector<1x1x32xi1>
    %squeeze3A_39 = vector.shape_cast %slice3A_38 : vector<1x1x32xi1> to vector<1x32xi1>
    %broadcast_in_dim3A_40 = vector.shape_cast %squeeze3A_39 : vector<1x32xi1> to vector<1x32xi1>
    %broadcast_in_dim3A_41 = vector.broadcast %broadcast_in_dim3A_40 : vector<1x32xi1> to vector<1280x32xi1>
    %broadcast_in_dim3A_42 = vector.shape_cast %mul3A_36 : vector<1280x1xf32> to vector<1280x1xf32>
    %broadcast_in_dim3A_43 = vector.broadcast %broadcast_in_dim3A_42 : vector<1280x1xf32> to vector<1280x32xf32>
    %broadcast_in_dim3A_44 = vector.shape_cast %mul3A_37 : vector<1280x1xf32> to vector<1280x1xf32>
    %broadcast_in_dim3A_45 = vector.broadcast %broadcast_in_dim3A_44 : vector<1280x1xf32> to vector<1280x32xf32>
    %select_n3A_46 = arith.select %broadcast_in_dim3A_41, %broadcast_in_dim3A_43, %broadcast_in_dim3A_45 : vector<1280x32xi1>, vector<1280x32xf32>
    %mul3A_47 = arith.mulf %mul3A_35, %select_n3A_46 : vector<1280x32xf32>
    %mul3A_48 = arith.mulf %mul3A_36, %mul3A_36 : vector<1280x1xf32>
    %mul3A_49 = arith.mulf %mul3A_37, %mul3A_37 : vector<1280x1xf32>
    %slice3A_50 = vector.extract_strided_slice %ne3A_10 {offsets = [3, 0, 0], sizes = [1, 1, 32], strides = [1, 1, 1]} : vector<5x1x32xi1> to vector<1x1x32xi1>
    %squeeze3A_51 = vector.shape_cast %slice3A_50 : vector<1x1x32xi1> to vector<1x32xi1>
    %broadcast_in_dim3A_52 = vector.shape_cast %squeeze3A_51 : vector<1x32xi1> to vector<1x32xi1>
    %broadcast_in_dim3A_53 = vector.broadcast %broadcast_in_dim3A_52 : vector<1x32xi1> to vector<1280x32xi1>
    %broadcast_in_dim3A_54 = vector.shape_cast %mul3A_48 : vector<1280x1xf32> to vector<1280x1xf32>
    %broadcast_in_dim3A_55 = vector.broadcast %broadcast_in_dim3A_54 : vector<1280x1xf32> to vector<1280x32xf32>
    %broadcast_in_dim3A_56 = vector.shape_cast %mul3A_49 : vector<1280x1xf32> to vector<1280x1xf32>
    %broadcast_in_dim3A_57 = vector.broadcast %broadcast_in_dim3A_56 : vector<1280x1xf32> to vector<1280x32xf32>
    %select_n3A_58 = arith.select %broadcast_in_dim3A_53, %broadcast_in_dim3A_55, %broadcast_in_dim3A_57 : vector<1280x32xi1>, vector<1280x32xf32>
    %mul3A_59 = arith.mulf %mul3A_47, %select_n3A_58 : vector<1280x32xf32>
    %mul3A_60 = arith.mulf %mul3A_48, %mul3A_48 : vector<1280x1xf32>
    %mul3A_61 = arith.mulf %mul3A_49, %mul3A_49 : vector<1280x1xf32>
    %slice3A_62 = vector.extract_strided_slice %ne3A_10 {offsets = [4, 0, 0], sizes = [1, 1, 32], strides = [1, 1, 1]} : vector<5x1x32xi1> to vector<1x1x32xi1>
    %squeeze3A_63 = vector.shape_cast %slice3A_62 : vector<1x1x32xi1> to vector<1x32xi1>
    %broadcast_in_dim3A_64 = vector.shape_cast %squeeze3A_63 : vector<1x32xi1> to vector<1x32xi1>
    %broadcast_in_dim3A_65 = vector.broadcast %broadcast_in_dim3A_64 : vector<1x32xi1> to vector<1280x32xi1>
    %broadcast_in_dim3A_66 = vector.shape_cast %mul3A_60 : vector<1280x1xf32> to vector<1280x1xf32>
    %broadcast_in_dim3A_67 = vector.broadcast %broadcast_in_dim3A_66 : vector<1280x1xf32> to vector<1280x32xf32>
    %broadcast_in_dim3A_68 = vector.shape_cast %mul3A_61 : vector<1280x1xf32> to vector<1280x1xf32>
    %broadcast_in_dim3A_69 = vector.broadcast %broadcast_in_dim3A_68 : vector<1280x1xf32> to vector<1280x32xf32>
    %select_n3A_70 = arith.select %broadcast_in_dim3A_65, %broadcast_in_dim3A_67, %broadcast_in_dim3A_69 : vector<1280x32xi1>, vector<1280x32xf32>
    %mul3A_71 = arith.mulf %mul3A_59, %select_n3A_70 : vector<1280x32xf32>
    %mul3A_72 = arith.constant 2.000000e-01 : f32
    %mul3A_73 = vector.broadcast %mul3A_72 : f32 to vector<1280x1xf32>
    %mul3A_74 = arith.mulf %get3A_1, %mul3A_73 : vector<1280x1xf32>
    %lt3A = arith.constant 1.000000e+00 : f32
    %lt3A_75 = vector.broadcast %lt3A : f32 to vector<1280x1xf32>
    %lt3A_76 = arith.cmpf olt, %mul3A_74, %lt3A_75 : vector<1280x1xf32>
    %jit3A_77 = arith.constant 0.000000e+00 : f32
    %broadcast_in_dim3A_78 = vector.broadcast %jit3A_77 : f32 to vector<1280x1xf32>
    %select_n3A_79 = arith.select %lt3A_76, %mul3A_74, %broadcast_in_dim3A_78 : vector<1280x1xi1>, vector<1280x1xf32>
    %mul3A_80 = arith.mulf %select_n3A_79, %select_n3A_79 : vector<1280x1xf32>
    %sub3A_81 = arith.constant 1.000000e+00 : f32
    %sub3A_82 = vector.broadcast %sub3A_81 : f32 to vector<1280x1xf32>
    %sub3A_83 = arith.subf %sub3A_82, %mul3A_80 : vector<1280x1xf32>
    %add3A_84 = arith.constant 9.99999996E-13 : f32
    %add3A_85 = vector.broadcast %add3A_84 : f32 to vector<1280x1xf32>
    %add3A_86 = arith.addf %sub3A_83, %add3A_85 : vector<1280x1xf32>
    %div3A_87 = arith.constant 1.000000e+00 : f32
    %div3A_88 = vector.broadcast %div3A_87 : f32 to vector<1280x1xf32>
    %div3A_89 = arith.divf %div3A_88, %add3A_86 : vector<1280x1xf32>
    %sub3A_90 = arith.constant 1.000000e+00 : f32
    %sub3A_91 = vector.broadcast %sub3A_90 : f32 to vector<1280x1xf32>
    %sub3A_92 = arith.subf %sub3A_91, %div3A_89 : vector<1280x1xf32>
    %exp3A = math.exp %sub3A_92 : vector<1280x1xf32>
    %jit3A_93 = arith.constant 0.000000e+00 : f32
    %broadcast_in_dim3A_94 = vector.broadcast %jit3A_93 : f32 to vector<1280x1xf32>
    %select_n3A_95 = arith.select %lt3A_76, %exp3A, %broadcast_in_dim3A_94 : vector<1280x1xi1>, vector<1280x1xf32>
    %mul3A_96 = vector.broadcast %select_n3A_95 : vector<1280x1xf32> to vector<1280x32xf32>
    %mul3A_97 = arith.mulf %mul3A_71, %mul3A_96 : vector<1280x32xf32>
    %get3A_98 = arith.constant 0 : index
    %get3A_99 = arith.constant 0 : index
    %get3A_100 = vector.load %arg3[%get3A_98, %get3A_99] : memref<32x32xf32, #tpu.memory_space<vmem>>, vector<32x32xf32>
    %dot_general3A = arith.constant dense<0.000000e+00> : vector<1280x32xf32>
    %dot_general3A_101 = tpu.matmul %mul3A_97, %get3A_100, %dot_general3A {dimension_numbers = #tpu.dot_dimension_numbers<[1], [0], [0], [1], [0, 0, 1, 1], [], []>, transpose_lhs_hint = false} : vector<1280x32xf32>, vector<32x32xf32>, vector<1280x32xf32> -> vector<1280x32xf32>
    %get3A_102 = arith.constant 0 : index
    %get3A_103 = arith.constant 0 : index
    %get3A_104 = vector.load %arg2[%get3A_102, %get3A_103] : memref<1280x32xf32, #tpu.memory_space<vmem>>, vector<1280x32xf32>
    %mul3A_105 = arith.mulf %dot_general3A_101, %get3A_104 : vector<1280x32xf32>
    %swap3A = arith.constant 0 : index
    %swap3A_106 = arith.constant 0 : index
    %swap3A_107 = vector.load %arg6[%swap3A, %swap3A_106] : memref<1280x32xf32, #tpu.memory_space<vmem>>, vector<1280x32xf32>
    tpu.vector_store %arg6[%swap3A, %swap3A_106], %mul3A_105 {strides = array<i32>} : memref<1280x32xf32, #tpu.memory_space<vmem>>, vector<1280x32xf32>,
    return
  }
  func.func @transform_0(%arg0: i32) -> (i32, i32) {
    %c0_i32 = arith.constant 0 : i32
    %c0_i32_0 = arith.constant 0 : i32
    return %arg0, %c0_i32 : i32, i32
  }
  func.func @transform_1(%arg0: i32) -> (i32, i32) {
    %c0_i32 = arith.constant 0 : i32
    %c0_i32_0 = arith.constant 0 : i32
    return %arg0, %c0_i32 : i32, i32
  }
  func.func @transform_2(%arg0: i32) -> (i32, i32) {
    %c0_i32 = arith.constant 0 : i32
    %c0_i32_0 = arith.constant 0 : i32
    %c0_i32_1 = arith.constant 0 : i32
    return %c0_i32, %c0_i32_0 : i32, i32
  }
  func.func @transform_3(%arg0: i32) -> (i32, i32) {
    %c0_i32 = arith.constant 0 : i32
    %c0_i32_0 = arith.constant 0 : i32
    %c0_i32_1 = arith.constant 0 : i32
    return %c0_i32, %c0_i32_0 : i32, i32
  }
  func.func @transform_4(%arg0: i32) -> (i32, i32, i32) {
    %c0_i32 = arith.constant 0 : i32
    %c0_i32_0 = arith.constant 0 : i32
    %c0_i32_1 = arith.constant 0 : i32
    %c0_i32_2 = arith.constant 0 : i32
    return %c0_i32, %c0_i32_0, %c0_i32_1 : i32, i32, i32
  }
  func.func @transform_5(%arg0: i32) -> (i32, i32) {
    %c0_i32 = arith.constant 0 : i32
    %c0_i32_0 = arith.constant 0 : i32
    return %arg0, %c0_i32 : i32, i32
  }
}

module attributes {stable_mosaic.version = 14 : i64} {
  func.func @body(%arg0: i32, %arg1: memref<1000x32xf32, #tpu.memory_space<vmem>>, %arg2: memref<2x1000x32xf32, #tpu.memory_space<vmem>>, %arg3: memref<32x32xf32, #tpu.memory_space<vmem>>, %arg4: memref<32x32xf32, #tpu.memory_space<vmem>>, %arg5: memref<1x32xf32, #tpu.memory_space<vmem>>, %arg6: memref<1000x1xi32, #tpu.memory_space<vmem>>, %arg7: memref<1x64xf32, #tpu.memory_space<vmem>>) attributes {dimension_semantics = [#tpu.dimension_semantics<arbitrary>], iteration_bounds = array<i64: 50>, scalar_prefetch = 0 : i64, scratch_operands = 0 : i64, tpu.core_type = #tpu.core_type<tc>, window_params = [{transform_indices = @transform_0, window_bounds = array<i64: 1000, 32>}, {transform_indices = @transform_1, window_bounds = array<i64: 2, 1000, 32>}, {pipeline_mode = #tpu.pipeline_mode<synchronous>, transform_indices = @transform_2, window_bounds = array<i64: 32, 32>}, {pipeline_mode = #tpu.pipeline_mode<synchronous>, transform_indices = @transform_3, window_bounds = array<i64: 32, 32>}, {pipeline_mode = #tpu.pipeline_mode<synchronous>, transform_indices = @transform_4, window_bounds = array<i64: 1, 32>}, {transform_indices = @transform_5, window_bounds = array<i64: 1000, 1>}, {pipeline_mode = #tpu.pipeline_mode<synchronous>, transform_indices = @transform_6, window_bounds = array<i64: 1, 64>}]} {
    %get3A = arith.constant 0 : index
    %get3A_0 = arith.constant 0 : index
    %get3A_1 = vector.load %arg1[%get3A, %get3A_0] : memref<1000x32xf32, #tpu.memory_space<vmem>>, vector<1000x32xf32>
    %get3A_2 = arith.constant 0 : index
    %get3A_3 = arith.constant 0 : index
    %get3A_4 = arith.constant 0 : index
    %get3A_5 = vector.load %arg2[%get3A_2, %get3A_3, %get3A_4] : memref<2x1000x32xf32, #tpu.memory_space<vmem>>, vector<1x1000x32xf32>
    %get3A_6 = vector.shape_cast %get3A_5 : vector<1x1000x32xf32> to vector<1000x32xf32>
    %add3A = arith.addf %get3A_1, %get3A_6 : vector<1000x32xf32>
    %get3A_7 = arith.constant 1 : index
    %get3A_8 = arith.constant 0 : index
    %get3A_9 = arith.constant 0 : index
    %get3A_10 = vector.load %arg2[%get3A_7, %get3A_8, %get3A_9] : memref<2x1000x32xf32, #tpu.memory_space<vmem>>, vector<1x1000x32xf32>
    %get3A_11 = vector.shape_cast %get3A_10 : vector<1x1000x32xf32> to vector<1000x32xf32>
    %add3A_12 = arith.addf %add3A, %get3A_11 : vector<1000x32xf32>
    %get3A_13 = arith.constant 0 : index
    %get3A_14 = arith.constant 0 : index
    %get3A_15 = vector.load %arg3[%get3A_13, %get3A_14] : memref<32x32xf32, #tpu.memory_space<vmem>>, vector<32x32xf32>
    %dot_general3A = arith.constant dense<0.000000e+00> : vector<1000x32xf32>
    %dot_general3A_16 = tpu.matmul %add3A_12, %get3A_15, %dot_general3A {dimension_numbers = #tpu.dot_dimension_numbers<[1], [0], [0], [1], [0, 0, 1, 1], [], []>, transpose_lhs_hint = false} : vector<1000x32xf32>, vector<32x32xf32>, vector<1000x32xf32> -> vector<1000x32xf32>
    %logistic3A = arith.negf %dot_general3A_16 : vector<1000x32xf32>
    %logistic3A_17 = math.exp %logistic3A : vector<1000x32xf32>
    %logistic3A_18 = arith.constant 1.000000e+00 : f32
    %logistic3A_19 = vector.broadcast %logistic3A_18 : f32 to vector<1000x32xf32>
    %logistic3A_20 = arith.addf %logistic3A_19, %logistic3A_17 : vector<1000x32xf32>
    %logistic3A_21 = arith.divf %logistic3A_19, %logistic3A_20 : vector<1000x32xf32>
    %mul3A = arith.mulf %dot_general3A_16, %logistic3A_21 : vector<1000x32xf32>
    %get3A_22 = arith.constant 0 : index
    %get3A_23 = arith.constant 0 : index
    %get3A_24 = vector.load %arg4[%get3A_22, %get3A_23] : memref<32x32xf32, #tpu.memory_space<vmem>>, vector<32x32xf32>
    %dot_general3A_25 = arith.constant dense<0.000000e+00> : vector<1000x32xf32>
    %dot_general3A_26 = tpu.matmul %mul3A, %get3A_24, %dot_general3A_25 {dimension_numbers = #tpu.dot_dimension_numbers<[1], [0], [0], [1], [0, 0, 1, 1], [], []>, transpose_lhs_hint = false} : vector<1000x32xf32>, vector<32x32xf32>, vector<1000x32xf32> -> vector<1000x32xf32>
    %get3A_27 = arith.constant 0 : index
    %get3A_28 = arith.constant 0 : index
    %get3A_29 = vector.load %arg5[%get3A_27, %get3A_28] : memref<1x32xf32, #tpu.memory_space<vmem>>, vector<1x32xf32>
    %mul3A_30 = vector.broadcast %get3A_29 : vector<1x32xf32> to vector<1000x32xf32>
    %mul3A_31 = arith.mulf %dot_general3A_26, %mul3A_30 : vector<1000x32xf32>
    %reduce_sum3A = arith.constant dense<0.000000e+00> : vector<1000xf32>
    %reduce_sum3A_32 = vector.multi_reduction <add>, %mul3A_31, %reduce_sum3A [1] : vector<1000x32xf32> to vector<1000xf32>
    %broadcast_in_dim3A = vector.shape_cast %reduce_sum3A_32 : vector<1000xf32> to vector<1000x1xf32>
    %iota3A = tpu.iota {dimensions = array<i32: 1>} : vector<1000x64xi32>
    %get3A_33 = arith.constant 0 : index
    %get3A_34 = arith.constant 0 : index
    %get3A_35 = vector.load %arg6[%get3A_33, %get3A_34] : memref<1000x1xi32, #tpu.memory_space<vmem>>, vector<1000x1xi32>
    %eq3A = vector.broadcast %get3A_35 : vector<1000x1xi32> to vector<1000x64xi32>
    %eq3A_36 = arith.cmpi eq, %eq3A, %iota3A : vector<1000x64xi32>
    %jit3A = arith.constant 0.000000e+00 : f32
    %broadcast_in_dim3A_37 = vector.shape_cast %broadcast_in_dim3A : vector<1000x1xf32> to vector<1000x1xf32>
    %broadcast_in_dim3A_38 = vector.broadcast %broadcast_in_dim3A_37 : vector<1000x1xf32> to vector<1000x64xf32>
    %broadcast_in_dim3A_39 = vector.broadcast %jit3A : f32 to vector<1000x64xf32>
    %select_n3A = arith.select %eq3A_36, %broadcast_in_dim3A_38, %broadcast_in_dim3A_39 : vector<1000x64xi1>, vector<1000x64xf32>
    %reduce_sum3A_40 = arith.constant dense<0.000000e+00> : vector<64xf32>
    %reduce_sum3A_41 = vector.multi_reduction <add>, %select_n3A, %reduce_sum3A_40 [0] : vector<1000x64xf32> to vector<64xf32>
    %broadcast_in_dim3A_42 = vector.shape_cast %reduce_sum3A_41 : vector<64xf32> to vector<1x64xf32>
    %eq3A_43 = arith.constant 0 : i32
    %eq3A_44 = arith.cmpi eq, %arg0, %eq3A_43 : i32
    %convert_element_type3A = arith.extui %eq3A_44 : i1 to i32
    %cond3A = arith.constant 0 : i32
    %cond3A_45 = arith.cmpi ne, %convert_element_type3A, %cond3A : i32
    scf.if %cond3A_45 {
      %broadcast_in_dim3A_52 = arith.constant 0.000000e+00 : f32
      %broadcast_in_dim3A_53 = vector.broadcast %broadcast_in_dim3A_52 : f32 to vector<1x64xf32>
      %swap3A_54 = arith.constant 0 : index
      %swap3A_55 = arith.constant 0 : index
      %swap3A_56 = vector.load %arg7[%swap3A_54, %swap3A_55] : memref<1x64xf32, #tpu.memory_space<vmem>>, vector<1x64xf32>
      tpu.vector_store %arg7[%swap3A_54, %swap3A_55], %broadcast_in_dim3A_53 {strides = array<i32>} : memref<1x64xf32, #tpu.memory_space<vmem>>, vector<1x64xf32>,
    } else {
    }
    %get3A_46 = arith.constant 0 : index
    %get3A_47 = arith.constant 0 : index
    %get3A_48 = vector.load %arg7[%get3A_46, %get3A_47] : memref<1x64xf32, #tpu.memory_space<vmem>>, vector<1x64xf32>
    %add3A_49 = arith.addf %get3A_48, %broadcast_in_dim3A_42 : vector<1x64xf32>
    %swap3A = arith.constant 0 : index
    %swap3A_50 = arith.constant 0 : index
    %swap3A_51 = vector.load %arg7[%swap3A, %swap3A_50] : memref<1x64xf32, #tpu.memory_space<vmem>>, vector<1x64xf32>
    tpu.vector_store %arg7[%swap3A, %swap3A_50], %add3A_49 {strides = array<i32>} : memref<1x64xf32, #tpu.memory_space<vmem>>, vector<1x64xf32>,
    return
  }
  func.func @transform_0(%arg0: i32) -> (i32, i32) {
    %c0_i32 = arith.constant 0 : i32
    %c0_i32_0 = arith.constant 0 : i32
    return %arg0, %c0_i32 : i32, i32
  }
  func.func @transform_1(%arg0: i32) -> (i32, i32, i32) {
    %c0_i32 = arith.constant 0 : i32
    %c0_i32_0 = arith.constant 0 : i32
    %c0_i32_1 = arith.constant 0 : i32
    return %c0_i32, %arg0, %c0_i32_0 : i32, i32, i32
  }
  func.func @transform_2(%arg0: i32) -> (i32, i32) {
    %c0_i32 = arith.constant 0 : i32
    %c0_i32_0 = arith.constant 0 : i32
    %c0_i32_1 = arith.constant 0 : i32
    return %c0_i32, %c0_i32_0 : i32, i32
  }
  func.func @transform_3(%arg0: i32) -> (i32, i32) {
    %c0_i32 = arith.constant 0 : i32
    %c0_i32_0 = arith.constant 0 : i32
    %c0_i32_1 = arith.constant 0 : i32
    return %c0_i32, %c0_i32_0 : i32, i32
  }
  func.func @transform_4(%arg0: i32) -> (i32, i32) {
    %c0_i32 = arith.constant 0 : i32
    %c0_i32_0 = arith.constant 0 : i32
    %c0_i32_1 = arith.constant 0 : i32
    return %c0_i32, %c0_i32_0 : i32, i32
  }
  func.func @transform_5(%arg0: i32) -> (i32, i32) {
    %c0_i32 = arith.constant 0 : i32
    %c0_i32_0 = arith.constant 0 : i32
    return %arg0, %c0_i32 : i32, i32
  }
  func.func @transform_6(%arg0: i32) -> (i32, i32) {
    %c0_i32 = arith.constant 0 : i32
    %c0_i32_0 = arith.constant 0 : i32
    %c0_i32_1 = arith.constant 0 : i32
    return %c0_i32, %c0_i32_0 : i32, i32
  }
}

</mosaic_0001>

<sc_bundles>
// kernel: kernel.11.cloned.1.call-start
scs
__scs_entry_jumppad:
0x0: {  	(pc) =	sbr.rel $0x88, $3  }
0x1: {  	(tag) =	ssettag $0x0;
	lr =	simm.s32 $0x1  }
0x2: {  	[smem:$0x3F93] =	sst lr;
	_ =	strace $0xD0000000  }
0x3: {  	_ = 	snop  }
0x4: {  	_ = 	snop  }
0x5: {  	_ = 	snop  }
0x6: {  	_ = 	snop  }
0x7: {  	_ = 	snop  }
__scs_overlays_trampoline_lowered:
0x8: {  	[smem:$0x3FA2] =	sst s0  }
0x9: {  	[smem:$0x3FA3] =	sst s1  }
0xa: {  	[smem:$0x3FA4] =	sst s2  }
0xb: {  	[smem:$0x3FA5] =	sst s3  }
0xc: {  	[smem:$0x3FA6] =	sst s4  }
0xd: {  	[smem:$0x3FA7] =	sst s5  }
0xe: {  	[smem:$0x3FA8] =	sst s6  }
0xf: {  	[smem:$0x3FA9] =	sst s7  }
0x10: {  	[smem:$0x3FAA] =	sst s8  }
0x11: {  	[smem:$0x3FAB] =	sst s9;
	s0 =	simm.s32 @!p0 $0x0  }
0x12: {  	s1 =	sld [smem:$0x3F91];
	s0 =	simm.s32 @p0 $0x1  }
0x13: {  	[smem:$0x3FAC] =	sst s0;
	s0 =	simm.s32 @!p1 $0x0  }
0x14: {  	s2 =	sld [smem:$0x3F90];
	s0 =	simm.s32 @p1 $0x1  }
0x15: {  	[smem:$0x3FAD] =	sst s0;
	s0 =	simm.s32 @!p2 $0x0  }
0x16: {  	s3 =	sld [smem:$0x3FDB];
	s0 =	simm.s32 @p2 $0x1  }
0x17: {  	s4 =	simm.s32 $0x1BF5;
	[smem:$0x3FAF] =	sst s0  }
0x18: {  	s0 =	sld [smem:$0x3F92];
	_ =	swait.ge [sflag:s4], $0x0  }
0x19: {  	s7 =	sld [smem:$0x3F93]  }
0x1a: {  	s8 =	sadd.s32 $0xFFFFE003, lr  }
0x1b: {  	s9 =	sadd.s32 $0xFFFFFEF7, lr;
	s5 =	simm.s32 $0xFFFFFFFF;
	p2 =	slt.u32 s8, $0xFFFFF086  }
0x1c: {  	p1 =	slt.u32 s9, $0xF7A;
	s5 =	simm.s32 @!p2 $0x0  }
0x1d: {  	s5 =	simm.s32 @p1 $0x1;
	p0 =	seq.s32 s7, s2  }
0x1e: {  	s7 =	smul.u32 @!p0 $0xF7A, s2;
	p2 =	seq.s32 @!p0 s5, $0x0  }
0x1f: {  	s9 =	smul.u32 $0xF7A, s1;
	s8 =	simm.s32 @!p0 $0x1BF5;
	p2 =	por !p2, p0  }
0x20: {  	[sflag:s8] =	ssyncset.s32 @!p0 $0xFFFFF086;
	s6 =	sadd.s32 @!p0 s3, s7;
	s7 =	simm.s32 @!p0 $0x108  }
0x21: {  	s3 =	sadd.s32 s3, s9;
	s6 =	sadd.s32 @!p0 $0x88, s6;
	s7 =	simm.s32 @p2 $0x1082  }
0x22: {  	[simem:s7], [sflag:s8] =	dma.local @!p0 [hbm:s6], $0xF7A  }
0x23: {  	s9 =	sor.u32 $0xD0000000, s2;
	s6 =	simm.s32 $0x108;
	_ =	swait.ge @!p0 [sflag:s8], $0x0  }
0x24: {  	s3 =	sadd.s32 $0x88, s3;
	s6 =	simm.s32 @!p1 $0x1082;
	[sflag:s4] =	ssyncset.s32 $0xFFFFF086  }
0x25: {  	[simem:s6], [sflag:s4] =	dma.local [hbm:s3], $0xF7A  }
0x26: {  	[smem:$0x3F93] =	sst s1;
	(tag) =	ssettag s2;
	_ =	strace s9  }
0x27: {  	s1 =	sld [smem:$0x3FA3]  }
0x28: {  	s2 =	sld [smem:$0x3FA4]  }
0x29: {  	s4 =	sld [smem:$0x3FA6]  }
0x2a: {  	p0 =	seq.s32 s5, $0x0;
	s5 =	sld [smem:$0x3FA7]  }
0x2b: {  	s6 =	sld [smem:$0x3FA8]  }
0x2c: {  	s7 =	sld [smem:$0x3FA9]  }
0x2d: {  	s3 =	simm.s32 $0x108;
	s8 =	sld [smem:$0x3FAA]  }
0x2e: {  	s3 =	simm.s32 @!p0 $0x1082;
	s9 =	sld [smem:$0x3FAB]  }
0x2f: {  	lr =	sadd.s32 s0, s3;
	s0 =	sld [smem:$0x3FA2]  }
0x30: {  	s3 =	sld [smem:$0x3FA5]  }
0x31: {  	[smem:$0x3FAE] =	sst s10  }
0x32: {  	s10 =	sld [smem:$0x3FAC];
	_ =	sdelay $0x3  }
0x33: {  	p0 =	seq.s32 s10, $0x1;
	s10 =	sld [smem:$0x3FAE];
	_ =	sdelay $0x3  }
0x34: {  	[smem:$0x3FAE] =	sst s10  }
0x35: {  	s10 =	sld [smem:$0x3FAD];
	_ =	sdelay $0x3  }
0x36: {  	p1 =	seq.s32 s10, $0x1;
	s10 =	sld [smem:$0x3FAE];
	_ =	sdelay $0x3  }
0x37: {  	[smem:$0x3FAE] =	sst s10  }
0x38: {  	s10 =	sld [smem:$0x3FAF]  }
0x39: {  	_ = 	snop;
	(pc) =	sbr.ind lr, $3  }
0x3a: {  	_ = 	snop  }
0x3b: {  	_ = 	snop  }
0x3c: {  	p2 =	seq.s32 s10, $0x1;
	s10 =	sld [smem:$0x3FAE]  }
0x3d: {  	_ =	shalt  }
0x3e: {  	_ =	shalt  }
0x3f: {  	_ =	shalt  }
0x40: {  	_ =	shalt  }
0x41: {  	_ =	shalt  }
0x42: {  	_ =	shalt  }
0x43: {  	_ =	shalt  }
0x44: {  	_ =	shalt  }
0x45: {  	_ =	shalt  }
0x46: {  	_ =	shalt  }
0x47: {  	_ =	shalt  }
0x48: {  	_ =	shalt  }
0x49: {  	_ =	shalt  }
0x4a: {  	_ =	shalt  }
0x4b: {  	_ =	shalt  }
0x4c: {  	_ =	shalt  }
0x4d: {  	_ =	shalt  }
0x4e: {  	_ =	shalt  }
0x4f: {  	_ =	shalt  }
0x50: {  	_ =	shalt  }
0x51: {  	_ =	shalt  }
0x52: {  	_ =	shalt  }
0x53: {  	_ =	shalt  }
0x54: {  	_ =	shalt  }
0x55: {  	_ =	shalt  }
0x56: {  	_ =	shalt  }
0x57: {  	_ =	shalt  }
0x58: {  	_ =	shalt  }
0x59: {  	_ =	shalt  }
0x5a: {  	_ =	shalt  }
0x5b: {  	_ =	shalt  }
0x5c: {  	_ =	shalt  }
0x5d: {  	_ =	shalt  }
0x5e: {  	_ =	shalt  }
0x5f: {  	_ =	shalt  }
0x60: {  	_ =	shalt  }
0x61: {  	_ =	shalt  }
0x62: {  	_ =	shalt  }
0x63: {  	_ =	shalt  }
0x64: {  	_ =	shalt  }
0x65: {  	_ =	shalt  }
0x66: {  	_ =	shalt  }
0x67: {  	_ =	shalt  }
0x68: {  	_ =	shalt  }
0x69: {  	_ =	shalt  }
0x6a: {  	_ =	shalt  }
0x6b: {  	_ =	shalt  }
0x6c: {  	_ =	shalt  }
0x6d: {  	_ =	shalt  }
0x6e: {  	_ =	shalt  }
0x6f: {  	_ =	shalt  }
0x70: {  	_ =	shalt  }
0x71: {  	_ =	shalt  }
0x72: {  	_ =	shalt  }
0x73: {  	_ =	shalt  }
0x74: {  	_ =	shalt  }
0x75: {  	_ =	shalt  }
0x76: {  	_ =	shalt  }
0x77: {  	_ =	shalt  }
0x78: {  	_ =	shalt  }
0x79: {  	_ =	shalt  }
0x7a: {  	_ =	shalt  }
0x7b: {  	_ =	shalt  }
0x7c: {  	_ =	shalt  }
0x7d: {  	_ =	shalt  }
0x7e: {  	_ =	shalt  }
0x7f: {  	_ =	shalt  }
0x80: {  	_ =	shalt  }
0x81: {  	_ =	shalt  }
0x82: {  	_ =	shalt  }
0x83: {  	_ =	shalt  }
0x84: {  	_ =	shalt  }
0x85: {  	_ =	shalt  }
0x86: {  	_ =	shalt  }
0x87: {  	_ =	shalt  }
.Lfunc_end0:
.L_simem_size_0:
called_computation_lowered:
.L_overlay_start_0:
0x88: {  	s2 =	sld [smem:$0x3FD9]  }
0x89: {  	s3 =	sld [smem:$0x3FFE];
	_ =	sdelay $0x1  }
0x8a: {  	s1 =	srdreg.scid  }
0x8b: {  	s0 =	sand.u32 $0x1, s1  }
0x8c: {  	s17 =	sshll.u32 s0, $0xA;
	s2 =	sadd.s32 s3, s2  }
0x8d: {  	s2 =	sadd.s32 s2, s17  }
0x8e: {  	[smem:$0x3FBA] =	sst s2  }
0x8f: {  	_ = 	snop  }
0x90: {  	s2 =	sld [smem:$0x3FC7]  }
0x91: {  	s18 =	sld [smem:$0x3FC6];
	(tm) =	ssettm $0x1  }
0x92: {  	s4 =	sld [smem:$0x3FFB];
	_ =	sdelay $0x3  }
0x93: {  	_ =	strace s4  }
0x94: {  	s4 =	sld [smem:$0x3FFC];
	_ =	sdelay $0x3  }
0x95: {  	_ =	strace s4  }
0x96: {  	s4 =	sld [smem:$0x3FFD];
	_ =	sdelay $0x3  }
0x97: {  	_ =	strace s4  }
0x98: {  	_ =	strace $0x8FFFFFFF  }
0x99: {  	s19 =	sld [smem:$0x3FDB];
	_ =	sdelay $0x1  }
0x9a: {  	s5 =	simm.s32 $_scs_section_size  }
0x9b: {  	s6 =	simm.s32 $_size__tile_overlayer_lowered;
	s7 =	simm.s32 $_tile_overlayer_lowered  }
0x9c: {  	s22 =	simm.s32 $0x1BFF;
	s21 =	sshll.u32 s7, $0x1;
	s4 =	sadd.s32 s5, s19  }
0x9d: {  	s8 =	simm.s32 $0x0;
	s20 =	sshll.u32 s6, $0x1;
	s6 =	sadd.s32 s21, s4  }
0x9e: {  	[timem:s8], [sflag:s22] =	dma.local [hbm:s6], s20  }
0x9f: {  	_ =	swait.ge [sflag:s22], s20  }
0xa0: {  	s5 =	ssub.s32 $0x0, s20;
	[sflag:s22] =	ssyncset.done $0x0  }
0xa1: {  	[sflag:s22] =	ssyncadd.s32 s5;
	_ =	sdelay $0x1  }
0xa2: {  	s23 =	simm.s32 $0x1B8B  }
0xa3: {  	_ =	swait.ge [sflag:s23], $0x1  }
0xa4: {  	[sflag:s23] =	ssyncset.done $0x0  }
0xa5: {  	s25 =	simm.s32 $0x1B8E;
	s24 =	sld [smem:$0x3FFE];
	[sflag:s23] =	ssyncadd.s32 $0xFFFFFFFF  }
0xa6: {  	s26 =	simm.s32 $execute0_lowered;
	[smem:$0x3FD2] =	sst s25  }
0xa7: {  	s6 =	sshll.u32 s26, $0x1;
	_ =	strace $0x80000046;
	[dreg:$0x1] =	wrdreg $0xFFFFFFFF  }
0xa8: {  	s28 =	simm.s32 $_size_execute0_lowered;
	s4 =	sadd.s32 s4, s6;
	[dreg:$0x0] =	wrdreg $0x0  }
0xa9: {  	s6 =	sshll.u32 s28, $0x1;
	[dreg:$0x2] =	wrdreg s4  }
0xaa: {  	[dreg:$0x3] =	wrdreg s6  }
0xab: {  	[dreg:$0x4] =	wrdreg $0xC0  }
0xac: {  	_ =	task [dreg:s8], $0x5FFFF  }
0xad: {  	[dreg:$0x1] =	wrdreg $0xFFFFFFFF  }
0xae: {  	[dreg:$0x0] =	wrdreg $0x60  }
0xaf: {  	[dreg:$0x2] =	wrdreg s24  }
0xb0: {  	[dreg:$0x3] =	wrdreg s18  }
0xb1: {  	[dreg:$0x4] =	wrdreg s2  }
0xb2: {  	[dreg:$0x5] =	wrdreg $0x9  }
0xb3: {  	_ =	task.clear_ibuf [dreg:s8], $0x6FFFF;
	_ =	strace $0x90000046  }
0xb4: {  	s29 =	simm.s32 $0x9;
	_ =	strace $0x80000048  }
0xb5: {  	_ =	swait.ge [sflag:s29], $0x1  }
0xb6: {  	[sflag:s29] =	ssyncadd.s32 $0xFFFFFFFF  }
0xb7: {  	_ =	strace $0x90000048  }
0xb8: {  	_ =	sfence  }
0xb9: {  	s30 =	sld [smem:$0x0];
	_ =	sdelay $0x2  }
0xba: {  	s31 =	sshll.u32 s1, $0xD;
	s1 =	sshrl.u32 s1, $0x2  }
0xbb: {  	s3 =	sand.u32 $0x4000, s31;
	s1 =	sadd.s32 s1, s30  }
0xbc: {  	s0 =	sor.u32 s3, s0;
	s1 =	sshll.u32 s1, $0x11  }
0xbd: {  	s0 =	sor.u32 s1, s0  }
0xbe: {  	s0 =	sadd.s32 $0x8F2B, s0  }
0xbf: {  	[sflag:s0] =	ssyncadd.remote.s32 $0x1  }
0xc0: {  	_ =	sfence.sel $0xFFFF  }
0xc1: {  	[dreg:$0x0] =	wrdreg $0xFFFFFFFF;
	(pc) =	sbr.abs _section_cstart, $3  }
0xc2: {  	[dreg:$0x1] =	wrdreg $0xFFFFFFFF  }
0xc3: {  	_ =	task.clear_ibuf [dreg:s8], $0x2FFFF;
	_ =	strace $0x9FFFFFFF  }
0xc4: {  	(tm) =	ssettm $0x7FFFFFFF  }
0xc5: {  	_ =	shalt  }
tec
execute0_lowered:
.L_overlay_start_1:
0x0: {  	(tag) =	ssettag $0x1  }
0x1: {  	s5 =	rddreg [dreg:$0x0]  }
0x2: {  	s1 =	srdreg.scid;
	s8 =	rddreg [dreg:$0x1]  }
0x3: {  	s0 =	stileid.u32;
	s9 =	rddreg [dreg:$0x2];
	s2 =	simm.s32 $0x0  }
0x4: {  	s14 =	simm.s32 $0x100;
	s15 =	simm.s32 $0x500;
	s16 =	simm.s32 $0x900  }
0x5: {  	s17 =	simm.s32 $0x0;
	s6 =	sand.u32 $0x1, s1;
	s1 =	rddreg [dreg:$0x3]  }
0x6: {  	s3 =	smul.u32 $0xC3, s0;
	[smem:$0x7FF] =	sst s2;
	s4 =	sshll.u32 s6, $0x4  }
0x7: {  	s7 =	smul.u32 $0xC30, s6;
	s6 =	ssub.s32 $0x2, s6;
	s10 =	sor.u32 s0, s4  }
0x8: {  	_ =	strace $0x80000047;
	s13 =	sshrl.u32 s6, $0x1;
	s4 =	smin.u32 s10, $0xA  }
0x9: {  	s7 =	sadd.s32 s3, s7;
	s3 =	sadd.s32 $0x34400, s5;
	p0 =	slt.u32 s10, $0xA  }
0xa: {  	s6 =	ssub.s32 s6, s13;
	s13 =	simm.s32 $0x80;
	s7 =	sadd.s32 s4, s7  }
0xb: {  	s4 =	sadd.s32 $0x3600, s5;
	s6 =	smax.u32 s6, $0x1;
	s11 =	sshll.u32 s7, $0x7  }
0xc: {  	s12 =	sshll.u32 s7, $0x9;
	s31 =	sshll.u32 s7, $0x4;
	s11 =	sadd.s32 s11, s5  }
0xd: {  	s12 =	sadd.s32 s12, s5;
	s5 =	simm.s32 $0xC4;
	s8 =	sadd.s32 s31, s8  }
0xe: {  	s9 =	sadd.s32 s31, s9;
	s5 =	simm.s32 @!p0 $0xC3;
	s7 =	sadd.s32 $0x18A200, s12  }
0xf: {  	s10 =	sadd.s32 $0x55AC00, s11;
	s11 =	sadd.s32 $0x497600, s11;
	s12 =	simm.s32 $0x1  }
.LBB2_1:
0x10: {  	[tilespmem:s2], [sflag:$0x1] =	stream.linear.gather [hbm4b:s8+s2], $0x80, $0x38;
	[tilespmem:$0x1900] =	vst v63  }
0x11: {  	_ =	swait.ge [sflag:s12], $0x80  }
0x12: {  	[sflag:s12] =	ssyncset.done $0x0  }
0x13: {  	[sflag:s12] =	ssyncadd.s32 $0xFFFFFF80  }
0x14: {  	[tilespmem:s13], [sflag:$0x1] =	stream.linear.gather [hbm4b:s9+s2], $0x80, $0x38;
	[tilespmem:$0x1900] =	vst v63  }
0x15: {  	_ =	swait.ge [sflag:s12], $0x80  }
0x16: {  	[sflag:s12] =	ssyncset.done $0x0  }
0x17: {  	[sflag:s12] =	ssyncadd.s32 $0xFFFFFF80  }
0x18: {  	[tilespmem:s14], [sflag:$0x1] =	stream.indirect.gather [hbm4b:s3+s13], $0x8, s2, s13, $0xb8;
	[tilespmem:$0x1900] =	vst v63  }
0x19: {  	_ =	swait.ge [sflag:s12], $0x400  }
0x1a: {  	[sflag:s12] =	ssyncset.done $0x0  }
0x1b: {  	[sflag:s12] =	ssyncadd.s32 $0xFFFFFC00  }
0x1c: {  	[tilespmem:s15], [sflag:$0x1] =	stream.indirect.gather [hbm4b:s3+s13], $0x8, s13, s13, $0xb8;
	[tilespmem:$0x1900] =	vst v63  }
0x1d: {  	_ =	swait.ge [sflag:s12], $0x400  }
0x1e: {  	[sflag:s12] =	ssyncset.done $0x0  }
0x1f: {  	[sflag:s12] =	ssyncadd.s32 $0xFFFFFC00  }
0x20: {  	[tilespmem:s16], [sflag:$0x1] =	stream.indirect.gather [hbm4b:s4+s13], $0x20, s2, s13, $0xb8;
	[tilespmem:$0x1900] =	vst v63  }
0x21: {  	_ =	swait.ge [sflag:s12], $0x1000  }
0x22: {  	[sflag:s12] =	ssyncset.done $0x0  }
0x23: {  	[sflag:s12] =	ssyncadd.s32 $0xFFFFF000  }
0x24: {  	[hbm4b:s10+s2] =	stream.linear.scatter [tilespmem:s14], [sflag:$0x1], $0x400, $0x38;
	[tilespmem:$0x1900] =	vst v63  }
0x25: {  	_ =	swait.ge [sflag:s12], $0x400  }
0x26: {  	[sflag:s12] =	ssyncset.done $0x0  }
0x27: {  	[sflag:s12] =	ssyncadd.s32 $0xFFFFFC00  }
0x28: {  	[hbm4b:s11+s2] =	stream.linear.scatter [tilespmem:s15], [sflag:$0x1], $0x400, $0x38;
	[tilespmem:$0x1900] =	vst v63  }
0x29: {  	p0 =	sne.s32 s5, $0x1;
	_ =	swait.ge [sflag:s12], $0x400  }
.Ltmp0:
0x2a: {  	[sflag:s12] =	ssyncset.done $0x0;
	(pc) =	sbr.rel @!p0 .LBB2_3-.Ltmp0, $4  }
0x2b: {  	s18 =	sadd.s32 $0xFFFFFFFF, s5;
	s19 =	sadd.s32 $0x80, s11;
	[sflag:s12] =	ssyncadd.s32 $0xFFFFFC00  }
0x2c: {  	[hbm4b:s7+s2] =	stream.linear.scatter [tilespmem:s16], [sflag:$0x1], $0x1000, $0x38;
	[tilespmem:$0x1900] =	vst v63  }
0x2d: {  	s20 =	sadd.s32 $0x10, s9;
	s21 =	sadd.s32 $0x80, s10;
	_ =	swait.ge [sflag:s12], $0x1000  }
0x2e: {  	s22 =	smov.u32 s7;
	s23 =	smov.u32 s8;
	[sflag:s12] =	ssyncset.done $0x0  }
.LBB2_2:
0x2f: {  	[sflag:s12] =	ssyncadd.s32 $0xFFFFF000;
	s22 =	sadd.s32 $0x200, s22;
	s23 =	sadd.s32 $0x10, s23  }
0x30: {  	[tilespmem:s2], [sflag:$0x1] =	stream.linear.gather [hbm4b:s23+s2], $0x80, $0x38;
	[tilespmem:$0x1900] =	vst v63  }
0x31: {  	p0 =	sne.s32 s18, $0x1;
	s18 =	sadd.s32 $0xFFFFFFFF, s18;
	_ =	swait.ge [sflag:s12], $0x80  }
0x32: {  	[sflag:s12] =	ssyncset.done $0x0  }
0x33: {  	[sflag:s12] =	ssyncadd.s32 $0xFFFFFF80  }
0x34: {  	[tilespmem:s13], [sflag:$0x1] =	stream.linear.gather [hbm4b:s20+s2], $0x80, $0x38;
	[tilespmem:$0x1900] =	vst v63  }
0x35: {  	_ =	swait.ge [sflag:s12], $0x80  }
0x36: {  	[sflag:s12] =	ssyncset.done $0x0  }
0x37: {  	[sflag:s12] =	ssyncadd.s32 $0xFFFFFF80  }
0x38: {  	[tilespmem:s14], [sflag:$0x1] =	stream.indirect.gather [hbm4b:s3+s13], $0x8, s2, s13, $0xb8;
	[tilespmem:$0x1900] =	vst v63  }
0x39: {  	_ =	swait.ge [sflag:s12], $0x400  }
0x3a: {  	[sflag:s12] =	ssyncset.done $0x0  }
0x3b: {  	[sflag:s12] =	ssyncadd.s32 $0xFFFFFC00  }
0x3c: {  	[tilespmem:s15], [sflag:$0x1] =	stream.indirect.gather [hbm4b:s3+s13], $0x8, s13, s13, $0xb8;
	[tilespmem:$0x1900] =	vst v63  }
0x3d: {  	_ =	swait.ge [sflag:s12], $0x400  }
0x3e: {  	[sflag:s12] =	ssyncset.done $0x0  }
0x3f: {  	[sflag:s12] =	ssyncadd.s32 $0xFFFFFC00  }
0x40: {  	[tilespmem:s16], [sflag:$0x1] =	stream.indirect.gather [hbm4b:s4+s13], $0x20, s2, s13, $0xb8;
	[tilespmem:$0x1900] =	vst v63  }
0x41: {  	_ =	swait.ge [sflag:s12], $0x1000  }
0x42: {  	[sflag:s12] =	ssyncset.done $0x0  }
0x43: {  	[sflag:s12] =	ssyncadd.s32 $0xFFFFF000  }
0x44: {  	[hbm4b:s21+s2] =	stream.linear.scatter [tilespmem:s14], [sflag:$0x1], $0x400, $0x38;
	[tilespmem:$0x1900] =	vst v63  }
0x45: {  	_ =	swait.ge [sflag:s12], $0x400  }
0x46: {  	[sflag:s12] =	ssyncset.done $0x0  }
0x47: {  	[sflag:s12] =	ssyncadd.s32 $0xFFFFFC00  }
0x48: {  	[hbm4b:s19+s2] =	stream.linear.scatter [tilespmem:s15], [sflag:$0x1], $0x400, $0x38;
	[tilespmem:$0x1900] =	vst v63  }
0x49: {  	_ =	swait.ge [sflag:s12], $0x400  }
.Ltmp1:
0x4a: {  	[sflag:s12] =	ssyncset.done $0x0;
	(pc) =	sbr.rel @p0 .LBB2_2-.Ltmp1, $4  }
0x4b: {  	[sflag:s12] =	ssyncadd.s32 $0xFFFFFC00  }
0x4c: {  	[hbm4b:s22+s2] =	stream.linear.scatter [tilespmem:s16], [sflag:$0x1], $0x1000, $0x38;
	[tilespmem:$0x1900] =	vst v63  }
0x4d: {  	s19 =	sadd.s32 $0x80, s19;
	_ =	swait.ge [sflag:s12], $0x1000  }
0x4e: {  	s20 =	sadd.s32 $0x10, s20;
	s21 =	sadd.s32 $0x80, s21;
	[sflag:s12] =	ssyncset.done $0x0  }
.LBB2_3:
0x4f: {  	s17 =	sadd.s32 $0x1, s17  }
0x50: {  	p0 =	sne.s32 s17, s6  }
.Ltmp2:
0x51: {  	_ = 	snop;
	(pc) =	sbr.rel @p0 .LBB2_1-.Ltmp2, $2  }
0x52: {  	_ =	sdelay $0x2  }
0x53: {  	[sflag:s12] =	ssyncadd.s32 $0xFFFFF000  }
0x54: {  	_ =	sfence.sel $0x180000  }
0x55: {  	[bflag:$0x0] =	sbarrier.arrive $0xFFFF  }
0x56: {  	p0 =	sne.s32 s0, $0x0;
	_ =	strace $0x90000047  }
0x57: {  	s0 =	sadd.s32 @!p0 $0x100000, s1;
	[bflag:$0x2] =	sbarrier.arrive $0xFFFF  }
0x58: {  	[sflag:s0] =	ssyncadd.tile.s32 @!p0 $0x1;
	_ =	shalt  }
.Lfunc_end2:
_tile_overlayer_lowered:
.L_overlay_start_2:
0x59: {  	(tag) =	ssettag $0x2  }
0x5a: {  	s0 =	rddreg [dreg:$0x0];
	s2 =	stileid.u32  }
0x5b: {  	s1 =	rddreg [dreg:$0x1];
	p0 =	sne.s32 s2, $0x0  }
0x5c: {  	s3 =	rddreg [dreg:$0x2];
	[bflag:$0x3] =	sbarrier.arrive $0xFFFF;
	s2 =	simm.s32 @!p0 $0x1C01  }
0x5d: {  	[timem:s3], [sflag:s2] =	dma.local @!p0 [hbm:s0], s1  }
0x5e: {  	s0 =	simm.s32 @!p0 $0x1  }
0x5f: {  	_ =	swait.ge @!p0 [sflag:s0], s1  }
0x60: {  	s1 =	ssub.s32 @!p0 $0x0, s1;
	[sflag:s0] =	ssyncset.done @!p0 $0x0  }
0x61: {  	[sflag:s0] =	ssyncadd.s32 @!p0 s1  }
0x62: {  	[bflag:$0x3] =	sbarrier.arrive $0xFFFF  }
0x63: {  	_ =	shalt  }

// kernel: kernel.14.cloned.1.call-start
scs
__scs_entry_jumppad:
0x0: {  	(pc) =	sbr.rel $0x88, $3  }
0x1: {  	(tag) =	ssettag $0x0;
	lr =	simm.s32 $0x1  }
0x2: {  	[smem:$0x3F93] =	sst lr;
	_ =	strace $0xD0000000  }
0x3: {  	_ = 	snop  }
0x4: {  	_ = 	snop  }
0x5: {  	_ = 	snop  }
0x6: {  	_ = 	snop  }
0x7: {  	_ = 	snop  }
__scs_overlays_trampoline_lowered:
0x8: {  	[smem:$0x3FA2] =	sst s0  }
0x9: {  	[smem:$0x3FA3] =	sst s1  }
0xa: {  	[smem:$0x3FA4] =	sst s2  }
0xb: {  	[smem:$0x3FA5] =	sst s3  }
0xc: {  	[smem:$0x3FA6] =	sst s4  }
0xd: {  	[smem:$0x3FA7] =	sst s5  }
0xe: {  	[smem:$0x3FA8] =	sst s6  }
0xf: {  	[smem:$0x3FA9] =	sst s7  }
0x10: {  	[smem:$0x3FAA] =	sst s8  }
0x11: {  	[smem:$0x3FAB] =	sst s9;
	s0 =	simm.s32 @!p0 $0x0  }
0x12: {  	s1 =	sld [smem:$0x3F91];
	s0 =	simm.s32 @p0 $0x1  }
0x13: {  	[smem:$0x3FAC] =	sst s0;
	s0 =	simm.s32 @!p1 $0x0  }
0x14: {  	s2 =	sld [smem:$0x3F90];
	s0 =	simm.s32 @p1 $0x1  }
0x15: {  	[smem:$0x3FAD] =	sst s0;
	s0 =	simm.s32 @!p2 $0x0  }
0x16: {  	s3 =	sld [smem:$0x3FDB];
	s0 =	simm.s32 @p2 $0x1  }
0x17: {  	s4 =	simm.s32 $0x1BF5;
	[smem:$0x3FAF] =	sst s0  }
0x18: {  	s0 =	sld [smem:$0x3F92];
	_ =	swait.ge [sflag:s4], $0x0  }
0x19: {  	s7 =	sld [smem:$0x3F93]  }
0x1a: {  	s8 =	sadd.s32 $0xFFFFE003, lr  }
0x1b: {  	s9 =	sadd.s32 $0xFFFFFEF7, lr;
	s5 =	simm.s32 $0xFFFFFFFF;
	p2 =	slt.u32 s8, $0xFFFFF086  }
0x1c: {  	p1 =	slt.u32 s9, $0xF7A;
	s5 =	simm.s32 @!p2 $0x0  }
0x1d: {  	s5 =	simm.s32 @p1 $0x1;
	p0 =	seq.s32 s7, s2  }
0x1e: {  	s7 =	smul.u32 @!p0 $0xF7A, s2;
	p2 =	seq.s32 @!p0 s5, $0x0  }
0x1f: {  	s9 =	smul.u32 $0xF7A, s1;
	s8 =	simm.s32 @!p0 $0x1BF5;
	p2 =	por !p2, p0  }
0x20: {  	[sflag:s8] =	ssyncset.s32 @!p0 $0xFFFFF086;
	s6 =	sadd.s32 @!p0 s3, s7;
	s7 =	simm.s32 @!p0 $0x108  }
0x21: {  	s3 =	sadd.s32 s3, s9;
	s6 =	sadd.s32 @!p0 $0x88, s6;
	s7 =	simm.s32 @p2 $0x1082  }
0x22: {  	[simem:s7], [sflag:s8] =	dma.local @!p0 [hbm:s6], $0xF7A  }
0x23: {  	s9 =	sor.u32 $0xD0000000, s2;
	s6 =	simm.s32 $0x108;
	_ =	swait.ge @!p0 [sflag:s8], $0x0  }
0x24: {  	s3 =	sadd.s32 $0x88, s3;
	s6 =	simm.s32 @!p1 $0x1082;
	[sflag:s4] =	ssyncset.s32 $0xFFFFF086  }
0x25: {  	[simem:s6], [sflag:s4] =	dma.local [hbm:s3], $0xF7A  }
0x26: {  	[smem:$0x3F93] =	sst s1;
	(tag) =	ssettag s2;
	_ =	strace s9  }
0x27: {  	s1 =	sld [smem:$0x3FA3]  }
0x28: {  	s2 =	sld [smem:$0x3FA4]  }
0x29: {  	s4 =	sld [smem:$0x3FA6]  }
0x2a: {  	p0 =	seq.s32 s5, $0x0;
	s5 =	sld [smem:$0x3FA7]  }
0x2b: {  	s6 =	sld [smem:$0x3FA8]  }
0x2c: {  	s7 =	sld [smem:$0x3FA9]  }
0x2d: {  	s3 =	simm.s32 $0x108;
	s8 =	sld [smem:$0x3FAA]  }
0x2e: {  	s3 =	simm.s32 @!p0 $0x1082;
	s9 =	sld [smem:$0x3FAB]  }
0x2f: {  	lr =	sadd.s32 s0, s3;
	s0 =	sld [smem:$0x3FA2]  }
0x30: {  	s3 =	sld [smem:$0x3FA5]  }
0x31: {  	[smem:$0x3FAE] =	sst s10  }
0x32: {  	s10 =	sld [smem:$0x3FAC];
	_ =	sdelay $0x3  }
0x33: {  	p0 =	seq.s32 s10, $0x1;
	s10 =	sld [smem:$0x3FAE];
	_ =	sdelay $0x3  }
0x34: {  	[smem:$0x3FAE] =	sst s10  }
0x35: {  	s10 =	sld [smem:$0x3FAD];
	_ =	sdelay $0x3  }
0x36: {  	p1 =	seq.s32 s10, $0x1;
	s10 =	sld [smem:$0x3FAE];
	_ =	sdelay $0x3  }
0x37: {  	[smem:$0x3FAE] =	sst s10  }
0x38: {  	s10 =	sld [smem:$0x3FAF]  }
0x39: {  	_ = 	snop;
	(pc) =	sbr.ind lr, $3  }
0x3a: {  	_ = 	snop  }
0x3b: {  	_ = 	snop  }
0x3c: {  	p2 =	seq.s32 s10, $0x1;
	s10 =	sld [smem:$0x3FAE]  }
0x3d: {  	_ =	shalt  }
0x3e: {  	_ =	shalt  }
0x3f: {  	_ =	shalt  }
0x40: {  	_ =	shalt  }
0x41: {  	_ =	shalt  }
0x42: {  	_ =	shalt  }
0x43: {  	_ =	shalt  }
0x44: {  	_ =	shalt  }
0x45: {  	_ =	shalt  }
0x46: {  	_ =	shalt  }
0x47: {  	_ =	shalt  }
0x48: {  	_ =	shalt  }
0x49: {  	_ =	shalt  }
0x4a: {  	_ =	shalt  }
0x4b: {  	_ =	shalt  }
0x4c: {  	_ =	shalt  }
0x4d: {  	_ =	shalt  }
0x4e: {  	_ =	shalt  }
0x4f: {  	_ =	shalt  }
0x50: {  	_ =	shalt  }
0x51: {  	_ =	shalt  }
0x52: {  	_ =	shalt  }
0x53: {  	_ =	shalt  }
0x54: {  	_ =	shalt  }
0x55: {  	_ =	shalt  }
0x56: {  	_ =	shalt  }
0x57: {  	_ =	shalt  }
0x58: {  	_ =	shalt  }
0x59: {  	_ =	shalt  }
0x5a: {  	_ =	shalt  }
0x5b: {  	_ =	shalt  }
0x5c: {  	_ =	shalt  }
0x5d: {  	_ =	shalt  }
0x5e: {  	_ =	shalt  }
0x5f: {  	_ =	shalt  }
0x60: {  	_ =	shalt  }
0x61: {  	_ =	shalt  }
0x62: {  	_ =	shalt  }
0x63: {  	_ =	shalt  }
0x64: {  	_ =	shalt  }
0x65: {  	_ =	shalt  }
0x66: {  	_ =	shalt  }
0x67: {  	_ =	shalt  }
0x68: {  	_ =	shalt  }
0x69: {  	_ =	shalt  }
0x6a: {  	_ =	shalt  }
0x6b: {  	_ =	shalt  }
0x6c: {  	_ =	shalt  }
0x6d: {  	_ =	shalt  }
0x6e: {  	_ =	shalt  }
0x6f: {  	_ =	shalt  }
0x70: {  	_ =	shalt  }
0x71: {  	_ =	shalt  }
0x72: {  	_ =	shalt  }
0x73: {  	_ =	shalt  }
0x74: {  	_ =	shalt  }
0x75: {  	_ =	shalt  }
0x76: {  	_ =	shalt  }
0x77: {  	_ =	shalt  }
0x78: {  	_ =	shalt  }
0x79: {  	_ =	shalt  }
0x7a: {  	_ =	shalt  }
0x7b: {  	_ =	shalt  }
0x7c: {  	_ =	shalt  }
0x7d: {  	_ =	shalt  }
0x7e: {  	_ =	shalt  }
0x7f: {  	_ =	shalt  }
0x80: {  	_ =	shalt  }
0x81: {  	_ =	shalt  }
0x82: {  	_ =	shalt  }
0x83: {  	_ =	shalt  }
0x84: {  	_ =	shalt  }
0x85: {  	_ =	shalt  }
0x86: {  	_ =	shalt  }
0x87: {  	_ =	shalt  }
.Lfunc_end0:
.L_simem_size_0:
called_computation.1_lowered:
.L_overlay_start_0:
0x88: {  	s2 =	sld [smem:$0x3FD9]  }
0x89: {  	s3 =	sld [smem:$0x3FFE];
	_ =	sdelay $0x1  }
0x8a: {  	s1 =	srdreg.scid  }
0x8b: {  	s0 =	sand.u32 $0x1, s1  }
0x8c: {  	s17 =	sshll.u32 s0, $0xA;
	s2 =	sadd.s32 s3, s2  }
0x8d: {  	s2 =	sadd.s32 s2, s17  }
0x8e: {  	[smem:$0x3FBA] =	sst s2  }
0x8f: {  	_ = 	snop  }
0x90: {  	s2 =	sld [smem:$0x3FC7];
	(tm) =	ssettm $0x1  }
0x91: {  	s18 =	sld [smem:$0x3FFB];
	_ =	sdelay $0x3  }
0x92: {  	_ =	strace s18  }
0x93: {  	s3 =	sld [smem:$0x3FFC];
	_ =	sdelay $0x3  }
0x94: {  	_ =	strace s3  }
0x95: {  	s3 =	sld [smem:$0x3FFD];
	_ =	sdelay $0x3  }
0x96: {  	_ =	strace s3  }
0x97: {  	_ =	strace $0x8FFFFFFF  }
0x98: {  	s19 =	sld [smem:$0x3FDB];
	_ =	sdelay $0x1  }
0x99: {  	s4 =	simm.s32 $_scs_section_size  }
0x9a: {  	s5 =	simm.s32 $_size__tile_overlayer_lowered;
	s6 =	simm.s32 $_tile_overlayer_lowered  }
0x9b: {  	s22 =	simm.s32 $0x1BFF;
	s21 =	sshll.u32 s6, $0x1;
	s3 =	sadd.s32 s4, s19  }
0x9c: {  	s7 =	simm.s32 $0x0;
	s20 =	sshll.u32 s5, $0x1;
	s5 =	sadd.s32 s21, s3  }
0x9d: {  	[timem:s7], [sflag:s22] =	dma.local [hbm:s5], s20  }
0x9e: {  	_ =	swait.ge [sflag:s22], s20  }
0x9f: {  	s4 =	ssub.s32 $0x0, s20;
	[sflag:s22] =	ssyncset.done $0x0  }
0xa0: {  	[sflag:s22] =	ssyncadd.s32 s4;
	_ =	sdelay $0x1  }
0xa1: {  	s23 =	simm.s32 $0x1B8B  }
0xa2: {  	_ =	swait.ge [sflag:s23], $0x1  }
0xa3: {  	[sflag:s23] =	ssyncset.done $0x0  }
0xa4: {  	s25 =	simm.s32 $0x1B8E;
	s24 =	sld [smem:$0x3FFE];
	[sflag:s23] =	ssyncadd.s32 $0xFFFFFFFF  }
0xa5: {  	s26 =	simm.s32 $execute0_lowered;
	[smem:$0x3FD2] =	sst s25  }
0xa6: {  	s5 =	sshll.u32 s26, $0x1;
	_ =	strace $0x80000049;
	[dreg:$0x1] =	wrdreg $0xFFFFFFFF  }
0xa7: {  	s28 =	simm.s32 $_size_execute0_lowered;
	s3 =	sadd.s32 s3, s5;
	[dreg:$0x0] =	wrdreg $0x0  }
0xa8: {  	s5 =	sshll.u32 s28, $0x1;
	[dreg:$0x2] =	wrdreg s3  }
0xa9: {  	[dreg:$0x3] =	wrdreg s5  }
0xaa: {  	[dreg:$0x4] =	wrdreg $0xC0  }
0xab: {  	_ =	task [dreg:s7], $0x5FFFF  }
0xac: {  	[dreg:$0x1] =	wrdreg $0xFFFFFFFF  }
0xad: {  	[dreg:$0x0] =	wrdreg $0x60  }
0xae: {  	[dreg:$0x2] =	wrdreg s24  }
0xaf: {  	[dreg:$0x3] =	wrdreg s2  }
0xb0: {  	[dreg:$0x4] =	wrdreg $0x0  }
0xb1: {  	[dreg:$0x5] =	wrdreg $0x9  }
0xb2: {  	_ =	task.clear_ibuf [dreg:s7], $0x6FFFF;
	_ =	strace $0x90000049  }
0xb3: {  	s29 =	simm.s32 $0x9;
	_ =	strace $0x8000004B  }
0xb4: {  	_ =	swait.ge [sflag:s29], $0x1  }
0xb5: {  	[sflag:s29] =	ssyncadd.s32 $0xFFFFFFFF  }
0xb6: {  	_ =	strace $0x9000004B  }
0xb7: {  	_ =	sfence  }
0xb8: {  	s30 =	sld [smem:$0x0];
	_ =	sdelay $0x2  }
0xb9: {  	s31 =	sshll.u32 s1, $0xD;
	s1 =	sshrl.u32 s1, $0x2  }
0xba: {  	s3 =	sand.u32 $0x4000, s31;
	s1 =	sadd.s32 s1, s30  }
0xbb: {  	s0 =	sor.u32 s3, s0;
	s1 =	sshll.u32 s1, $0x11  }
0xbc: {  	s0 =	sor.u32 s1, s0  }
0xbd: {  	s0 =	sadd.s32 $0x8F2B, s0  }
0xbe: {  	[sflag:s0] =	ssyncadd.remote.s32 $0x1  }
0xbf: {  	_ =	sfence.sel $0xFFFF  }
0xc0: {  	[dreg:$0x0] =	wrdreg $0xFFFFFFFF;
	(pc) =	sbr.abs _section_cstart, $3  }
0xc1: {  	[dreg:$0x1] =	wrdreg $0xFFFFFFFF  }
0xc2: {  	_ =	task.clear_ibuf [dreg:s7], $0x2FFFF;
	_ =	strace $0x9FFFFFFF  }
0xc3: {  	(tm) =	ssettm $0x7FFFFFFF  }
tec
execute0_lowered:
.L_overlay_start_1:
0x0: {  	(tag) =	ssettag $0x1  }
0x1: {  	s5 =	rddreg [dreg:$0x0];
	s1 =	srdreg.scid  }
0x2: {  	s0 =	stileid.u32;
	s10 =	rddreg [dreg:$0x1]  }
0x3: {  	s2 =	rddreg [dreg:$0x2];
	s3 =	simm.s32 $0x0;
	s15 =	simm.s32 $0x80  }
0x4: {  	s16 =	simm.s32 $0x0;
	s4 =	sand.u32 $0x1, s1;
	s6 =	smul.u32 $0xC3, s0  }
0x5: {  	s1 =	rddreg [dreg:$0x3];
	s8 =	smul.u32 $0x186A0, s0;
	s9 =	smin.u32 s0, $0x5  }
0x6: {  	[smem:$0x7FF] =	sst s3;
	s30 =	sshll.u32 s0, $0x6;
	s7 =	smul.u32 $0xC35, s4  }
0x7: {  	p0 =	slt.u32 s0, $0x5;
	s25 =	smul.u32 $0x186A00, s4;
	s28 =	ssub.s32 $0x2, s4  }
0x8: {  	_ =	strace $0x8000004A;
	s4 =	sadd.s32 $0x3600, s5;
	s29 =	sshrl.u32 s28, $0x1  }
0x9: {  	s14 =	sadd.s32 s8, s2;
	s6 =	sadd.s32 s6, s7;
	s7 =	sadd.s32 s8, s25  }
0xa: {  	s13 =	ssub.s32 s28, s29;
	s9 =	sadd.s32 s9, s6;
	s26 =	sshrl.u32 s7, $0x3  }
0xb: {  	s8 =	smax.u32 s13, $0x1;
	s13 =	simm.s32 $0x186A0;
	s6 =	sshll.u32 s9, $0x9  }
0xc: {  	s12 =	sadd.s32 s26, s5;
	s31 =	sshll.u32 s9, $0x4;
	s11 =	sadd.s32 s6, s5  }
0xd: {  	s5 =	sor.u32 $0x1C01, s30;
	s6 =	simm.s32 $0xC4;
	s7 =	sadd.s32 $0x6800, s12  }
0xe: {  	s10 =	sadd.s32 s31, s10;
	s12 =	simm.s32 $0x1;
	s6 =	simm.s32 @!p0 $0xC3  }
0xf: {  	s9 =	sadd.s32 $0x18A200, s11;
	s11 =	sshrl.u32 s14, $0x3;
	s14 =	simm.s32 $0x18720  }
.LBB2_1:
0x10: {  	[spmem:s11], [sflag:s5] =	dma.local [hbm:s4], $0x30D4  }
0x11: {  	_ =	swait.ge [sflag:s12], $0x30D4  }
0x12: {  	[sflag:s12] =	ssyncset.done $0x0  }
0x13: {  	[sflag:s12] =	ssyncadd.s32 $0xFFFFCF2C  }
0x14: {  	[bflag:$0x0] =	sbarrier.arrive $0xFFFF  }
0x15: {  	[tilespmem:s13], [sflag:$0x1] =	stream.linear.gather [hbm4b:s10+s3], $0x80, $0x38;
	[tilespmem:$0x19720] =	vst v63  }
0x16: {  	_ =	swait.ge [sflag:s12], $0x80  }
0x17: {  	[sflag:s12] =	ssyncset.done $0x0  }
0x18: {  	[sflag:s12] =	ssyncadd.s32 $0xFFFFFF80  }
0x19: {  	[tilespmem:s14], [sflag:$0x1] =	stream.linear.gather [hbm4b:s9+s3], $0x1000, $0x38;
	[tilespmem:$0x19720] =	vst v63  }
0x1a: {  	p0 =	sne.s32 s6, $0x1;
	_ =	swait.ge [sflag:s12], $0x1000  }
.Ltmp0:
0x1b: {  	[sflag:s12] =	ssyncset.done $0x0;
	(pc) =	sbr.rel @!p0 .LBB2_3-.Ltmp0, $4  }
0x1c: {  	[sflag:s12] =	ssyncadd.s32 $0xFFFFF000  }
0x1d: {  	[spmem:s2] =	stream.indirect.scatter.add.f32 [tilespmem:s14], [sflag:$0x1], $0x20, s13, s15, $0xb8;
	[tilespmem:$0x19720] =	vst v63  }
0x1e: {  	s17 =	sadd.s32 $0xFFFFFFFF, s6;
	_ =	swait.ge [sflag:s12], $0x1000  }
0x1f: {  	s18 =	smov.u32 s9;
	s19 =	smov.u32 s10;
	[sflag:s12] =	ssyncset.done $0x0  }
.LBB2_2:
0x20: {  	[sflag:s12] =	ssyncadd.s32 $0xFFFFF000;
	s18 =	sadd.s32 $0x200, s18;
	s19 =	sadd.s32 $0x10, s19  }
0x21: {  	[tilespmem:s13], [sflag:$0x1] =	stream.linear.gather [hbm4b:s19+s3], $0x80, $0x38;
	[tilespmem:$0x19720] =	vst v63  }
0x22: {  	p0 =	sne.s32 s17, $0x1;
	s17 =	sadd.s32 $0xFFFFFFFF, s17;
	_ =	swait.ge [sflag:s12], $0x80  }
0x23: {  	[sflag:s12] =	ssyncset.done $0x0  }
0x24: {  	[sflag:s12] =	ssyncadd.s32 $0xFFFFFF80  }
0x25: {  	[tilespmem:s14], [sflag:$0x1] =	stream.linear.gather [hbm4b:s18+s3], $0x1000, $0x38;
	[tilespmem:$0x19720] =	vst v63  }
0x26: {  	_ =	swait.ge [sflag:s12], $0x1000  }
.Ltmp1:
0x27: {  	[sflag:s12] =	ssyncset.done $0x0;
	(pc) =	sbr.rel @p0 .LBB2_2-.Ltmp1, $4  }
0x28: {  	[sflag:s12] =	ssyncadd.s32 $0xFFFFF000  }
0x29: {  	[spmem:s2] =	stream.indirect.scatter.add.f32 [tilespmem:s14], [sflag:$0x1], $0x20, s13, s15, $0xb8;
	[tilespmem:$0x19720] =	vst v63  }
0x2a: {  	_ =	swait.ge [sflag:s12], $0x1000  }
0x2b: {  	[sflag:s12] =	ssyncset.done $0x0  }
.LBB2_3:
0x2c: {  	s16 =	sadd.s32 $0x1, s16  }
0x2d: {  	[sflag:s12] =	ssyncadd.s32 $0xFFFFF000;
	p0 =	sne.s32 s16, s8  }
.Ltmp2:
0x2e: {  	[bflag:$0x0] =	sbarrier.arrive $0xFFFF;
	(pc) =	sbr.rel @p0 .LBB2_1-.Ltmp2, $4  }
0x2f: {  	[hbm:s7], [sflag:s5] =	dma.local [spmem:s11], $0x30D4  }
0x30: {  	_ =	swait.ge [sflag:s12], $0x30D4  }
0x31: {  	[sflag:s12] =	ssyncset.done $0x0  }
0x32: {  	[sflag:s12] =	ssyncadd.s32 $0xFFFFCF2C  }
0x33: {  	_ =	sfence.sel $0x180000  }
0x34: {  	[bflag:$0x0] =	sbarrier.arrive $0xFFFF  }
0x35: {  	p0 =	sne.s32 s0, $0x0;
	_ =	strace $0x9000004A  }
0x36: {  	s0 =	sadd.s32 @!p0 $0x100000, s1;
	[bflag:$0x2] =	sbarrier.arrive $0xFFFF  }
0x37: {  	[sflag:s0] =	ssyncadd.tile.s32 @!p0 $0x1;
	_ =	shalt  }
.Lfunc_end2:
_tile_overlayer_lowered:
.L_overlay_start_2:
0x38: {  	(tag) =	ssettag $0x2  }
0x39: {  	s0 =	rddreg [dreg:$0x0];
	s2 =	stileid.u32  }
0x3a: {  	s1 =	rddreg [dreg:$0x1];
	p0 =	sne.s32 s2, $0x0  }
0x3b: {  	s3 =	rddreg [dreg:$0x2];
	[bflag:$0x3] =	sbarrier.arrive $0xFFFF;
	s2 =	simm.s32 @!p0 $0x1C01  }
0x3c: {  	[timem:s3], [sflag:s2] =	dma.local @!p0 [hbm:s0], s1  }
0x3d: {  	s0 =	simm.s32 @!p0 $0x1  }
0x3e: {  	_ =	swait.ge @!p0 [sflag:s0], s1  }
0x3f: {  	s1 =	ssub.s32 @!p0 $0x0, s1;
	[sflag:s0] =	ssyncset.done @!p0 $0x0  }
0x40: {  	[sflag:s0] =	ssyncadd.s32 @!p0 s1  }
0x41: {  	[bflag:$0x3] =	sbarrier.arrive $0xFFFF  }
0x42: {  	_ =	shalt  }

// kernel: kernel.17.cloned.1.call-start
scs
__scs_entry_jumppad:
0x0: {  	(pc) =	sbr.rel $0x88, $3  }
0x1: {  	(tag) =	ssettag $0x0;
	lr =	simm.s32 $0x1  }
0x2: {  	[smem:$0x3F93] =	sst lr;
	_ =	strace $0xD0000000  }
0x3: {  	_ = 	snop  }
0x4: {  	_ = 	snop  }
0x5: {  	_ = 	snop  }
0x6: {  	_ = 	snop  }
0x7: {  	_ = 	snop  }
__scs_overlays_trampoline_lowered:
0x8: {  	[smem:$0x3FA2] =	sst s0  }
0x9: {  	[smem:$0x3FA3] =	sst s1  }
0xa: {  	[smem:$0x3FA4] =	sst s2  }
0xb: {  	[smem:$0x3FA5] =	sst s3  }
0xc: {  	[smem:$0x3FA6] =	sst s4  }
0xd: {  	[smem:$0x3FA7] =	sst s5  }
0xe: {  	[smem:$0x3FA8] =	sst s6  }
0xf: {  	[smem:$0x3FA9] =	sst s7  }
0x10: {  	[smem:$0x3FAA] =	sst s8  }
0x11: {  	[smem:$0x3FAB] =	sst s9;
	s0 =	simm.s32 @!p0 $0x0  }
0x12: {  	s1 =	sld [smem:$0x3F91];
	s0 =	simm.s32 @p0 $0x1  }
0x13: {  	[smem:$0x3FAC] =	sst s0;
	s0 =	simm.s32 @!p1 $0x0  }
0x14: {  	s2 =	sld [smem:$0x3F90];
	s0 =	simm.s32 @p1 $0x1  }
0x15: {  	[smem:$0x3FAD] =	sst s0;
	s0 =	simm.s32 @!p2 $0x0  }
0x16: {  	s3 =	sld [smem:$0x3FDB];
	s0 =	simm.s32 @p2 $0x1  }
0x17: {  	s4 =	simm.s32 $0x1BF5;
	[smem:$0x3FAF] =	sst s0  }
0x18: {  	s0 =	sld [smem:$0x3F92];
	_ =	swait.ge [sflag:s4], $0x0  }
0x19: {  	s7 =	sld [smem:$0x3F93]  }
0x1a: {  	s8 =	sadd.s32 $0xFFFFE003, lr  }
0x1b: {  	s9 =	sadd.s32 $0xFFFFFEF7, lr;
	s5 =	simm.s32 $0xFFFFFFFF;
	p2 =	slt.u32 s8, $0xFFFFF086  }
0x1c: {  	p1 =	slt.u32 s9, $0xF7A;
	s5 =	simm.s32 @!p2 $0x0  }
0x1d: {  	s5 =	simm.s32 @p1 $0x1;
	p0 =	seq.s32 s7, s2  }
0x1e: {  	s7 =	smul.u32 @!p0 $0xF7A, s2;
	p2 =	seq.s32 @!p0 s5, $0x0  }
0x1f: {  	s9 =	smul.u32 $0xF7A, s1;
	s8 =	simm.s32 @!p0 $0x1BF5;
	p2 =	por !p2, p0  }
0x20: {  	[sflag:s8] =	ssyncset.s32 @!p0 $0xFFFFF086;
	s6 =	sadd.s32 @!p0 s3, s7;
	s7 =	simm.s32 @!p0 $0x108  }
0x21: {  	s3 =	sadd.s32 s3, s9;
	s6 =	sadd.s32 @!p0 $0x88, s6;
	s7 =	simm.s32 @p2 $0x1082  }
0x22: {  	[simem:s7], [sflag:s8] =	dma.local @!p0 [hbm:s6], $0xF7A  }
0x23: {  	s9 =	sor.u32 $0xD0000000, s2;
	s6 =	simm.s32 $0x108;
	_ =	swait.ge @!p0 [sflag:s8], $0x0  }
0x24: {  	s3 =	sadd.s32 $0x88, s3;
	s6 =	simm.s32 @!p1 $0x1082;
	[sflag:s4] =	ssyncset.s32 $0xFFFFF086  }
0x25: {  	[simem:s6], [sflag:s4] =	dma.local [hbm:s3], $0xF7A  }
0x26: {  	[smem:$0x3F93] =	sst s1;
	(tag) =	ssettag s2;
	_ =	strace s9  }
0x27: {  	s1 =	sld [smem:$0x3FA3]  }
0x28: {  	s2 =	sld [smem:$0x3FA4]  }
0x29: {  	s4 =	sld [smem:$0x3FA6]  }
0x2a: {  	p0 =	seq.s32 s5, $0x0;
	s5 =	sld [smem:$0x3FA7]  }
0x2b: {  	s6 =	sld [smem:$0x3FA8]  }
0x2c: {  	s7 =	sld [smem:$0x3FA9]  }
0x2d: {  	s3 =	simm.s32 $0x108;
	s8 =	sld [smem:$0x3FAA]  }
0x2e: {  	s3 =	simm.s32 @!p0 $0x1082;
	s9 =	sld [smem:$0x3FAB]  }
0x2f: {  	lr =	sadd.s32 s0, s3;
	s0 =	sld [smem:$0x3FA2]  }
0x30: {  	s3 =	sld [smem:$0x3FA5]  }
0x31: {  	[smem:$0x3FAE] =	sst s10  }
0x32: {  	s10 =	sld [smem:$0x3FAC];
	_ =	sdelay $0x3  }
0x33: {  	p0 =	seq.s32 s10, $0x1;
	s10 =	sld [smem:$0x3FAE];
	_ =	sdelay $0x3  }
0x34: {  	[smem:$0x3FAE] =	sst s10  }
0x35: {  	s10 =	sld [smem:$0x3FAD];
	_ =	sdelay $0x3  }
0x36: {  	p1 =	seq.s32 s10, $0x1;
	s10 =	sld [smem:$0x3FAE];
	_ =	sdelay $0x3  }
0x37: {  	[smem:$0x3FAE] =	sst s10  }
0x38: {  	s10 =	sld [smem:$0x3FAF]  }
0x39: {  	_ = 	snop;
	(pc) =	sbr.ind lr, $3  }
0x3a: {  	_ = 	snop  }
0x3b: {  	_ = 	snop  }
0x3c: {  	p2 =	seq.s32 s10, $0x1;
	s10 =	sld [smem:$0x3FAE]  }
0x3d: {  	_ =	shalt  }
0x3e: {  	_ =	shalt  }
0x3f: {  	_ =	shalt  }
0x40: {  	_ =	shalt  }
0x41: {  	_ =	shalt  }
0x42: {  	_ =	shalt  }
0x43: {  	_ =	shalt  }
0x44: {  	_ =	shalt  }
0x45: {  	_ =	shalt  }
0x46: {  	_ =	shalt  }
0x47: {  	_ =	shalt  }
0x48: {  	_ =	shalt  }
0x49: {  	_ =	shalt  }
0x4a: {  	_ =	shalt  }
0x4b: {  	_ =	shalt  }
0x4c: {  	_ =	shalt  }
0x4d: {  	_ =	shalt  }
0x4e: {  	_ =	shalt  }
0x4f: {  	_ =	shalt  }
0x50: {  	_ =	shalt  }
0x51: {  	_ =	shalt  }
0x52: {  	_ =	shalt  }
0x53: {  	_ =	shalt  }
0x54: {  	_ =	shalt  }
0x55: {  	_ =	shalt  }
0x56: {  	_ =	shalt  }
0x57: {  	_ =	shalt  }
0x58: {  	_ =	shalt  }
0x59: {  	_ =	shalt  }
0x5a: {  	_ =	shalt  }
0x5b: {  	_ =	shalt  }
0x5c: {  	_ =	shalt  }
0x5d: {  	_ =	shalt  }
0x5e: {  	_ =	shalt  }
0x5f: {  	_ =	shalt  }
0x60: {  	_ =	shalt  }
0x61: {  	_ =	shalt  }
0x62: {  	_ =	shalt  }
0x63: {  	_ =	shalt  }
0x64: {  	_ =	shalt  }
0x65: {  	_ =	shalt  }
0x66: {  	_ =	shalt  }
0x67: {  	_ =	shalt  }
0x68: {  	_ =	shalt  }
0x69: {  	_ =	shalt  }
0x6a: {  	_ =	shalt  }
0x6b: {  	_ =	shalt  }
0x6c: {  	_ =	shalt  }
0x6d: {  	_ =	shalt  }
0x6e: {  	_ =	shalt  }
0x6f: {  	_ =	shalt  }
0x70: {  	_ =	shalt  }
0x71: {  	_ =	shalt  }
0x72: {  	_ =	shalt  }
0x73: {  	_ =	shalt  }
0x74: {  	_ =	shalt  }
0x75: {  	_ =	shalt  }
0x76: {  	_ =	shalt  }
0x77: {  	_ =	shalt  }
0x78: {  	_ =	shalt  }
0x79: {  	_ =	shalt  }
0x7a: {  	_ =	shalt  }
0x7b: {  	_ =	shalt  }
0x7c: {  	_ =	shalt  }
0x7d: {  	_ =	shalt  }
0x7e: {  	_ =	shalt  }
0x7f: {  	_ =	shalt  }
0x80: {  	_ =	shalt  }
0x81: {  	_ =	shalt  }
0x82: {  	_ =	shalt  }
0x83: {  	_ =	shalt  }
0x84: {  	_ =	shalt  }
0x85: {  	_ =	shalt  }
0x86: {  	_ =	shalt  }
0x87: {  	_ =	shalt  }
.Lfunc_end0:
.L_simem_size_0:
called_computation.2_lowered:
.L_overlay_start_0:
0x88: {  	s2 =	sld [smem:$0x3FD9]  }
0x89: {  	s3 =	sld [smem:$0x3FFE];
	_ =	sdelay $0x1  }
0x8a: {  	s1 =	srdreg.scid  }
0x8b: {  	s0 =	sand.u32 $0x1, s1  }
0x8c: {  	s17 =	sshll.u32 s0, $0xA;
	s2 =	sadd.s32 s3, s2  }
0x8d: {  	s2 =	sadd.s32 s2, s17  }
0x8e: {  	[smem:$0x3FBA] =	sst s2  }
0x8f: {  	_ = 	snop  }
0x90: {  	s2 =	sld [smem:$0x3FC6];
	(tm) =	ssettm $0x1  }
0x91: {  	s18 =	sld [smem:$0x3FFB];
	_ =	sdelay $0x3  }
0x92: {  	_ =	strace s18  }
0x93: {  	s3 =	sld [smem:$0x3FFC];
	_ =	sdelay $0x3  }
0x94: {  	_ =	strace s3  }
0x95: {  	s3 =	sld [smem:$0x3FFD];
	_ =	sdelay $0x3  }
0x96: {  	_ =	strace s3  }
0x97: {  	_ =	strace $0x8FFFFFFF  }
0x98: {  	s19 =	sld [smem:$0x3FDB];
	_ =	sdelay $0x1  }
0x99: {  	s4 =	simm.s32 $_scs_section_size  }
0x9a: {  	s5 =	simm.s32 $_size__tile_overlayer_lowered;
	s6 =	simm.s32 $_tile_overlayer_lowered  }
0x9b: {  	s22 =	simm.s32 $0x1BFF;
	s21 =	sshll.u32 s6, $0x1;
	s3 =	sadd.s32 s4, s19  }
0x9c: {  	s7 =	simm.s32 $0x0;
	s20 =	sshll.u32 s5, $0x1;
	s5 =	sadd.s32 s21, s3  }
0x9d: {  	[timem:s7], [sflag:s22] =	dma.local [hbm:s5], s20  }
0x9e: {  	_ =	swait.ge [sflag:s22], s20  }
0x9f: {  	s4 =	ssub.s32 $0x0, s20;
	[sflag:s22] =	ssyncset.done $0x0  }
0xa0: {  	[sflag:s22] =	ssyncadd.s32 s4;
	_ =	sdelay $0x1  }
0xa1: {  	s23 =	simm.s32 $0x1B8B  }
0xa2: {  	_ =	swait.ge [sflag:s23], $0x1  }
0xa3: {  	[sflag:s23] =	ssyncset.done $0x0  }
0xa4: {  	s25 =	simm.s32 $0x1B8E;
	s24 =	sld [smem:$0x3FFE];
	[sflag:s23] =	ssyncadd.s32 $0xFFFFFFFF  }
0xa5: {  	s26 =	simm.s32 $execute0_lowered;
	[smem:$0x3FD2] =	sst s25  }
0xa6: {  	s5 =	sshll.u32 s26, $0x1;
	_ =	strace $0x8000004C;
	[dreg:$0x1] =	wrdreg $0xFFFFFFFF  }
0xa7: {  	s28 =	simm.s32 $_size_execute0_lowered;
	s3 =	sadd.s32 s3, s5;
	[dreg:$0x0] =	wrdreg $0x0  }
0xa8: {  	s5 =	sshll.u32 s28, $0x1;
	[dreg:$0x2] =	wrdreg s3  }
0xa9: {  	[dreg:$0x3] =	wrdreg s5  }
0xaa: {  	[dreg:$0x4] =	wrdreg $0xC0  }
0xab: {  	_ =	task [dreg:s7], $0x5FFFF  }
0xac: {  	[dreg:$0x1] =	wrdreg $0xFFFFFFFF  }
0xad: {  	[dreg:$0x0] =	wrdreg $0x60  }
0xae: {  	[dreg:$0x2] =	wrdreg s24  }
0xaf: {  	[dreg:$0x3] =	wrdreg s2  }
0xb0: {  	[dreg:$0x4] =	wrdreg $0x9  }
0xb1: {  	_ =	task.clear_ibuf [dreg:s7], $0x5FFFF;
	_ =	strace $0x9000004C  }
0xb2: {  	s29 =	simm.s32 $0x9;
	_ =	strace $0x8000004E  }
0xb3: {  	_ =	swait.ge [sflag:s29], $0x1  }
0xb4: {  	[sflag:s29] =	ssyncadd.s32 $0xFFFFFFFF  }
0xb5: {  	_ =	strace $0x9000004E  }
0xb6: {  	_ =	sfence  }
0xb7: {  	s30 =	sld [smem:$0x0];
	_ =	sdelay $0x2  }
0xb8: {  	s31 =	sshll.u32 s1, $0xD;
	s1 =	sshrl.u32 s1, $0x2  }
0xb9: {  	s3 =	sand.u32 $0x4000, s31;
	s1 =	sadd.s32 s1, s30  }
0xba: {  	s0 =	sor.u32 s3, s0;
	s1 =	sshll.u32 s1, $0x11  }
0xbb: {  	s0 =	sor.u32 s1, s0  }
0xbc: {  	s0 =	sadd.s32 $0x8F2B, s0  }
0xbd: {  	[sflag:s0] =	ssyncadd.remote.s32 $0x1  }
0xbe: {  	_ =	sfence.sel $0xFFFF  }
0xbf: {  	[dreg:$0x0] =	wrdreg $0xFFFFFFFF;
	(pc) =	sbr.abs _section_cstart, $3  }
0xc0: {  	[dreg:$0x1] =	wrdreg $0xFFFFFFFF  }
0xc1: {  	_ =	task.clear_ibuf [dreg:s7], $0x2FFFF;
	_ =	strace $0x9FFFFFFF  }
0xc2: {  	(tm) =	ssettm $0x7FFFFFFF  }
0xc3: {  	_ =	shalt  }
tec
execute0_lowered:
.L_overlay_start_1:
0x0: {  	(tag) =	ssettag $0x1  }
0x1: {  	s1 =	srdreg.scid;
	s4 =	rddreg [dreg:$0x0]  }
0x2: {  	s0 =	stileid.u32;
	s7 =	rddreg [dreg:$0x1];
	s5 =	sand.u32 $0x1, s1  }
0x3: {  	s3 =	smul.u32 $0xC3, s0;
	s1 =	rddreg [dreg:$0x2];
	s2 =	sshll.u32 s5, $0x4  }
0x4: {  	s6 =	smul.u32 $0xC30, s5;
	s5 =	ssub.s32 $0x2, s5;
	s8 =	sor.u32 s0, s2  }
0x5: {  	s2 =	simm.s32 $0x0;
	s10 =	sshrl.u32 s5, $0x1;
	s9 =	smin.u32 s8, $0xA  }
0x6: {  	s3 =	sadd.s32 s3, s6;
	[smem:$0x7FF] =	sst s2;
	p0 =	slt.u32 s8, $0xA  }
0x7: {  	s5 =	ssub.s32 s5, s10;
	s8 =	simm.s32 $0x1;
	s10 =	simm.s32 $0x0  }
0x8: {  	s6 =	sadd.s32 s9, s3;
	_ =	strace $0x8000004D;
	s3 =	sadd.s32 $0x6800, s4  }
0x9: {  	s5 =	smax.u32 s5, $0x1;
	s9 =	sshll.u32 s6, $0x9;
	s31 =	sshll.u32 s6, $0x4  }
0xa: {  	s9 =	sadd.s32 s9, s4;
	s4 =	simm.s32 $0xC4;
	s7 =	sadd.s32 s31, s7  }
0xb: {  	s4 =	simm.s32 @!p0 $0xC3;
	s6 =	sadd.s32 $0x3D4200, s9;
	s9 =	simm.s32 $0x80  }
.LBB2_1:
0xc: {  	[tilespmem:s2], [sflag:$0x1] =	stream.linear.gather [hbm4b:s7+s2], $0x80, $0x38;
	[tilespmem:$0x1080] =	vst v63  }
0xd: {  	_ =	swait.ge [sflag:s8], $0x80  }
0xe: {  	[sflag:s8] =	ssyncset.done $0x0  }
0xf: {  	[sflag:s8] =	ssyncadd.s32 $0xFFFFFF80  }
0x10: {  	[tilespmem:s9], [sflag:$0x1] =	stream.indirect.gather [hbm4b:s3+s9], $0x20, s2, s9, $0xb8;
	[tilespmem:$0x1080] =	vst v63  }
0x11: {  	p0 =	sne.s32 s4, $0x1;
	_ =	swait.ge [sflag:s8], $0x1000  }
.Ltmp0:
0x12: {  	[sflag:s8] =	ssyncset.done $0x0;
	(pc) =	sbr.rel @!p0 .LBB2_3-.Ltmp0, $4  }
0x13: {  	[sflag:s8] =	ssyncadd.s32 $0xFFFFF000  }
0x14: {  	[hbm4b:s6+s2] =	stream.linear.scatter [tilespmem:s9], [sflag:$0x1], $0x1000, $0x38;
	[tilespmem:$0x1080] =	vst v63  }
0x15: {  	s11 =	sadd.s32 $0xFFFFFFFF, s4;
	_ =	swait.ge [sflag:s8], $0x1000  }
0x16: {  	s12 =	smov.u32 s6;
	s13 =	smov.u32 s7;
	[sflag:s8] =	ssyncset.done $0x0  }
.LBB2_2:
0x17: {  	[sflag:s8] =	ssyncadd.s32 $0xFFFFF000;
	s12 =	sadd.s32 $0x200, s12;
	s13 =	sadd.s32 $0x10, s13  }
0x18: {  	[tilespmem:s2], [sflag:$0x1] =	stream.linear.gather [hbm4b:s13+s2], $0x80, $0x38;
	[tilespmem:$0x1080] =	vst v63  }
0x19: {  	p0 =	sne.s32 s11, $0x1;
	s11 =	sadd.s32 $0xFFFFFFFF, s11;
	_ =	swait.ge [sflag:s8], $0x80  }
0x1a: {  	[sflag:s8] =	ssyncset.done $0x0  }
0x1b: {  	[sflag:s8] =	ssyncadd.s32 $0xFFFFFF80  }
0x1c: {  	[tilespmem:s9], [sflag:$0x1] =	stream.indirect.gather [hbm4b:s3+s9], $0x20, s2, s9, $0xb8;
	[tilespmem:$0x1080] =	vst v63  }
0x1d: {  	_ =	swait.ge [sflag:s8], $0x1000  }
.Ltmp1:
0x1e: {  	[sflag:s8] =	ssyncset.done $0x0;
	(pc) =	sbr.rel @p0 .LBB2_2-.Ltmp1, $4  }
0x1f: {  	[sflag:s8] =	ssyncadd.s32 $0xFFFFF000  }
0x20: {  	[hbm4b:s12+s2] =	stream.linear.scatter [tilespmem:s9], [sflag:$0x1], $0x1000, $0x38;
	[tilespmem:$0x1080] =	vst v63  }
0x21: {  	_ =	swait.ge [sflag:s8], $0x1000  }
0x22: {  	[sflag:s8] =	ssyncset.done $0x0  }
.LBB2_3:
0x23: {  	s10 =	sadd.s32 $0x1, s10  }
0x24: {  	p0 =	sne.s32 s10, s5  }
.Ltmp2:
0x25: {  	_ = 	snop;
	(pc) =	sbr.rel @p0 .LBB2_1-.Ltmp2, $2  }
0x26: {  	_ =	sdelay $0x2  }
0x27: {  	[sflag:s8] =	ssyncadd.s32 $0xFFFFF000  }
0x28: {  	_ =	sfence.sel $0x180000  }
0x29: {  	[bflag:$0x0] =	sbarrier.arrive $0xFFFF  }
0x2a: {  	p0 =	sne.s32 s0, $0x0;
	_ =	strace $0x9000004D  }
0x2b: {  	s0 =	sadd.s32 @!p0 $0x100000, s1;
	[bflag:$0x2] =	sbarrier.arrive $0xFFFF  }
0x2c: {  	[sflag:s0] =	ssyncadd.tile.s32 @!p0 $0x1;
	_ =	shalt  }
.Lfunc_end2:
_tile_overlayer_lowered:
.L_overlay_start_2:
0x2d: {  	(tag) =	ssettag $0x2  }
0x2e: {  	s0 =	rddreg [dreg:$0x0];
	s2 =	stileid.u32  }
0x2f: {  	s1 =	rddreg [dreg:$0x1];
	p0 =	sne.s32 s2, $0x0  }
0x30: {  	s3 =	rddreg [dreg:$0x2];
	[bflag:$0x3] =	sbarrier.arrive $0xFFFF;
	s2 =	simm.s32 @!p0 $0x1C01  }
0x31: {  	[timem:s3], [sflag:s2] =	dma.local @!p0 [hbm:s0], s1  }
0x32: {  	s0 =	simm.s32 @!p0 $0x1  }
0x33: {  	_ =	swait.ge @!p0 [sflag:s0], s1  }
0x34: {  	s1 =	ssub.s32 @!p0 $0x0, s1;
	[sflag:s0] =	ssyncset.done @!p0 $0x0  }
0x35: {  	[sflag:s0] =	ssyncadd.s32 @!p0 s1  }
0x36: {  	[bflag:$0x3] =	sbarrier.arrive $0xFFFF  }
0x37: {  	_ =	shalt  }

// kernel: kernel.20.cloned.1.call-start
scs
__scs_entry_jumppad:
0x0: {  	(pc) =	sbr.rel $0x88, $3  }
0x1: {  	(tag) =	ssettag $0x0;
	lr =	simm.s32 $0x1  }
0x2: {  	[smem:$0x3F93] =	sst lr;
	_ =	strace $0xD0000000  }
0x3: {  	_ = 	snop  }
0x4: {  	_ = 	snop  }
0x5: {  	_ = 	snop  }
0x6: {  	_ = 	snop  }
0x7: {  	_ = 	snop  }
__scs_overlays_trampoline_lowered:
0x8: {  	[smem:$0x3FA2] =	sst s0  }
0x9: {  	[smem:$0x3FA3] =	sst s1  }
0xa: {  	[smem:$0x3FA4] =	sst s2  }
0xb: {  	[smem:$0x3FA5] =	sst s3  }
0xc: {  	[smem:$0x3FA6] =	sst s4  }
0xd: {  	[smem:$0x3FA7] =	sst s5  }
0xe: {  	[smem:$0x3FA8] =	sst s6  }
0xf: {  	[smem:$0x3FA9] =	sst s7  }
0x10: {  	[smem:$0x3FAA] =	sst s8  }
0x11: {  	[smem:$0x3FAB] =	sst s9;
	s0 =	simm.s32 @!p0 $0x0  }
0x12: {  	s1 =	sld [smem:$0x3F91];
	s0 =	simm.s32 @p0 $0x1  }
0x13: {  	[smem:$0x3FAC] =	sst s0;
	s0 =	simm.s32 @!p1 $0x0  }
0x14: {  	s2 =	sld [smem:$0x3F90];
	s0 =	simm.s32 @p1 $0x1  }
0x15: {  	[smem:$0x3FAD] =	sst s0;
	s0 =	simm.s32 @!p2 $0x0  }
0x16: {  	s3 =	sld [smem:$0x3FDB];
	s0 =	simm.s32 @p2 $0x1  }
0x17: {  	s4 =	simm.s32 $0x1BF5;
	[smem:$0x3FAF] =	sst s0  }
0x18: {  	s0 =	sld [smem:$0x3F92];
	_ =	swait.ge [sflag:s4], $0x0  }
0x19: {  	s7 =	sld [smem:$0x3F93]  }
0x1a: {  	s8 =	sadd.s32 $0xFFFFE003, lr  }
0x1b: {  	s9 =	sadd.s32 $0xFFFFFEF7, lr;
	s5 =	simm.s32 $0xFFFFFFFF;
	p2 =	slt.u32 s8, $0xFFFFF086  }
0x1c: {  	p1 =	slt.u32 s9, $0xF7A;
	s5 =	simm.s32 @!p2 $0x0  }
0x1d: {  	s5 =	simm.s32 @p1 $0x1;
	p0 =	seq.s32 s7, s2  }
0x1e: {  	s7 =	smul.u32 @!p0 $0xF7A, s2;
	p2 =	seq.s32 @!p0 s5, $0x0  }
0x1f: {  	s9 =	smul.u32 $0xF7A, s1;
	s8 =	simm.s32 @!p0 $0x1BF5;
	p2 =	por !p2, p0  }
0x20: {  	[sflag:s8] =	ssyncset.s32 @!p0 $0xFFFFF086;
	s6 =	sadd.s32 @!p0 s3, s7;
	s7 =	simm.s32 @!p0 $0x108  }
0x21: {  	s3 =	sadd.s32 s3, s9;
	s6 =	sadd.s32 @!p0 $0x88, s6;
	s7 =	simm.s32 @p2 $0x1082  }
0x22: {  	[simem:s7], [sflag:s8] =	dma.local @!p0 [hbm:s6], $0xF7A  }
0x23: {  	s9 =	sor.u32 $0xD0000000, s2;
	s6 =	simm.s32 $0x108;
	_ =	swait.ge @!p0 [sflag:s8], $0x0  }
0x24: {  	s3 =	sadd.s32 $0x88, s3;
	s6 =	simm.s32 @!p1 $0x1082;
	[sflag:s4] =	ssyncset.s32 $0xFFFFF086  }
0x25: {  	[simem:s6], [sflag:s4] =	dma.local [hbm:s3], $0xF7A  }
0x26: {  	[smem:$0x3F93] =	sst s1;
	(tag) =	ssettag s2;
	_ =	strace s9  }
0x27: {  	s1 =	sld [smem:$0x3FA3]  }
0x28: {  	s2 =	sld [smem:$0x3FA4]  }
0x29: {  	s4 =	sld [smem:$0x3FA6]  }
0x2a: {  	p0 =	seq.s32 s5, $0x0;
	s5 =	sld [smem:$0x3FA7]  }
0x2b: {  	s6 =	sld [smem:$0x3FA8]  }
0x2c: {  	s7 =	sld [smem:$0x3FA9]  }
0x2d: {  	s3 =	simm.s32 $0x108;
	s8 =	sld [smem:$0x3FAA]  }
0x2e: {  	s3 =	simm.s32 @!p0 $0x1082;
	s9 =	sld [smem:$0x3FAB]  }
0x2f: {  	lr =	sadd.s32 s0, s3;
	s0 =	sld [smem:$0x3FA2]  }
0x30: {  	s3 =	sld [smem:$0x3FA5]  }
0x31: {  	[smem:$0x3FAE] =	sst s10  }
0x32: {  	s10 =	sld [smem:$0x3FAC];
	_ =	sdelay $0x3  }
0x33: {  	p0 =	seq.s32 s10, $0x1;
	s10 =	sld [smem:$0x3FAE];
	_ =	sdelay $0x3  }
0x34: {  	[smem:$0x3FAE] =	sst s10  }
0x35: {  	s10 =	sld [smem:$0x3FAD];
	_ =	sdelay $0x3  }
0x36: {  	p1 =	seq.s32 s10, $0x1;
	s10 =	sld [smem:$0x3FAE];
	_ =	sdelay $0x3  }
0x37: {  	[smem:$0x3FAE] =	sst s10  }
0x38: {  	s10 =	sld [smem:$0x3FAF]  }
0x39: {  	_ = 	snop;
	(pc) =	sbr.ind lr, $3  }
0x3a: {  	_ = 	snop  }
0x3b: {  	_ = 	snop  }
0x3c: {  	p2 =	seq.s32 s10, $0x1;
	s10 =	sld [smem:$0x3FAE]  }
0x3d: {  	_ =	shalt  }
0x3e: {  	_ =	shalt  }
0x3f: {  	_ =	shalt  }
0x40: {  	_ =	shalt  }
0x41: {  	_ =	shalt  }
0x42: {  	_ =	shalt  }
0x43: {  	_ =	shalt  }
0x44: {  	_ =	shalt  }
0x45: {  	_ =	shalt  }
0x46: {  	_ =	shalt  }
0x47: {  	_ =	shalt  }
0x48: {  	_ =	shalt  }
0x49: {  	_ =	shalt  }
0x4a: {  	_ =	shalt  }
0x4b: {  	_ =	shalt  }
0x4c: {  	_ =	shalt  }
0x4d: {  	_ =	shalt  }
0x4e: {  	_ =	shalt  }
0x4f: {  	_ =	shalt  }
0x50: {  	_ =	shalt  }
0x51: {  	_ =	shalt  }
0x52: {  	_ =	shalt  }
0x53: {  	_ =	shalt  }
0x54: {  	_ =	shalt  }
0x55: {  	_ =	shalt  }
0x56: {  	_ =	shalt  }
0x57: {  	_ =	shalt  }
0x58: {  	_ =	shalt  }
0x59: {  	_ =	shalt  }
0x5a: {  	_ =	shalt  }
0x5b: {  	_ =	shalt  }
0x5c: {  	_ =	shalt  }
0x5d: {  	_ =	shalt  }
0x5e: {  	_ =	shalt  }
0x5f: {  	_ =	shalt  }
0x60: {  	_ =	shalt  }
0x61: {  	_ =	shalt  }
0x62: {  	_ =	shalt  }
0x63: {  	_ =	shalt  }
0x64: {  	_ =	shalt  }
0x65: {  	_ =	shalt  }
0x66: {  	_ =	shalt  }
0x67: {  	_ =	shalt  }
0x68: {  	_ =	shalt  }
0x69: {  	_ =	shalt  }
0x6a: {  	_ =	shalt  }
0x6b: {  	_ =	shalt  }
0x6c: {  	_ =	shalt  }
0x6d: {  	_ =	shalt  }
0x6e: {  	_ =	shalt  }
0x6f: {  	_ =	shalt  }
0x70: {  	_ =	shalt  }
0x71: {  	_ =	shalt  }
0x72: {  	_ =	shalt  }
0x73: {  	_ =	shalt  }
0x74: {  	_ =	shalt  }
0x75: {  	_ =	shalt  }
0x76: {  	_ =	shalt  }
0x77: {  	_ =	shalt  }
0x78: {  	_ =	shalt  }
0x79: {  	_ =	shalt  }
0x7a: {  	_ =	shalt  }
0x7b: {  	_ =	shalt  }
0x7c: {  	_ =	shalt  }
0x7d: {  	_ =	shalt  }
0x7e: {  	_ =	shalt  }
0x7f: {  	_ =	shalt  }
0x80: {  	_ =	shalt  }
0x81: {  	_ =	shalt  }
0x82: {  	_ =	shalt  }
0x83: {  	_ =	shalt  }
0x84: {  	_ =	shalt  }
0x85: {  	_ =	shalt  }
0x86: {  	_ =	shalt  }
0x87: {  	_ =	shalt  }
.Lfunc_end0:
.L_simem_size_0:
called_computation.3_lowered:
.L_overlay_start_0:
0x88: {  	s2 =	sld [smem:$0x3FD9]  }
0x89: {  	s3 =	sld [smem:$0x3FFE];
	_ =	sdelay $0x1  }
0x8a: {  	s1 =	srdreg.scid  }
0x8b: {  	s0 =	sand.u32 $0x1, s1  }
0x8c: {  	s17 =	sshll.u32 s0, $0xA;
	s2 =	sadd.s32 s3, s2  }
0x8d: {  	s2 =	sadd.s32 s2, s17  }
0x8e: {  	[smem:$0x3FBA] =	sst s2  }
0x8f: {  	_ = 	snop  }
0x90: {  	s2 =	sld [smem:$0x3FC7];
	(tm) =	ssettm $0x1  }
0x91: {  	s18 =	sld [smem:$0x3FFB];
	_ =	sdelay $0x3  }
0x92: {  	_ =	strace s18  }
0x93: {  	s3 =	sld [smem:$0x3FFC];
	_ =	sdelay $0x3  }
0x94: {  	_ =	strace s3  }
0x95: {  	s3 =	sld [smem:$0x3FFD];
	_ =	sdelay $0x3  }
0x96: {  	_ =	strace s3  }
0x97: {  	_ =	strace $0x8FFFFFFF  }
0x98: {  	s19 =	sld [smem:$0x3FDB];
	_ =	sdelay $0x1  }
0x99: {  	s4 =	simm.s32 $_scs_section_size  }
0x9a: {  	s5 =	simm.s32 $_size__tile_overlayer_lowered;
	s6 =	simm.s32 $_tile_overlayer_lowered  }
0x9b: {  	s22 =	simm.s32 $0x1BFF;
	s21 =	sshll.u32 s6, $0x1;
	s3 =	sadd.s32 s4, s19  }
0x9c: {  	s7 =	simm.s32 $0x0;
	s20 =	sshll.u32 s5, $0x1;
	s5 =	sadd.s32 s21, s3  }
0x9d: {  	[timem:s7], [sflag:s22] =	dma.local [hbm:s5], s20  }
0x9e: {  	_ =	swait.ge [sflag:s22], s20  }
0x9f: {  	s4 =	ssub.s32 $0x0, s20;
	[sflag:s22] =	ssyncset.done $0x0  }
0xa0: {  	[sflag:s22] =	ssyncadd.s32 s4;
	_ =	sdelay $0x1  }
0xa1: {  	s23 =	simm.s32 $0x1B8B  }
0xa2: {  	_ =	swait.ge [sflag:s23], $0x1  }
0xa3: {  	[sflag:s23] =	ssyncset.done $0x0  }
0xa4: {  	s25 =	simm.s32 $0x1B8E;
	s24 =	sld [smem:$0x3FFE];
	[sflag:s23] =	ssyncadd.s32 $0xFFFFFFFF  }
0xa5: {  	s26 =	simm.s32 $execute0_lowered;
	[smem:$0x3FD2] =	sst s25  }
0xa6: {  	s5 =	sshll.u32 s26, $0x1;
	_ =	strace $0x8000004F;
	[dreg:$0x1] =	wrdreg $0xFFFFFFFF  }
0xa7: {  	s28 =	simm.s32 $_size_execute0_lowered;
	s3 =	sadd.s32 s3, s5;
	[dreg:$0x0] =	wrdreg $0x0  }
0xa8: {  	s5 =	sshll.u32 s28, $0x1;
	[dreg:$0x2] =	wrdreg s3  }
0xa9: {  	[dreg:$0x3] =	wrdreg s5  }
0xaa: {  	[dreg:$0x4] =	wrdreg $0xC0  }
0xab: {  	_ =	task [dreg:s7], $0x5FFFF  }
0xac: {  	[dreg:$0x1] =	wrdreg $0xFFFFFFFF  }
0xad: {  	[dreg:$0x0] =	wrdreg $0x60  }
0xae: {  	[dreg:$0x2] =	wrdreg s24  }
0xaf: {  	[dreg:$0x3] =	wrdreg s2  }
0xb0: {  	[dreg:$0x4] =	wrdreg $0x0  }
0xb1: {  	[dreg:$0x5] =	wrdreg $0x9  }
0xb2: {  	_ =	task.clear_ibuf [dreg:s7], $0x6FFFF;
	_ =	strace $0x9000004F  }
0xb3: {  	s29 =	simm.s32 $0x9;
	_ =	strace $0x80000051  }
0xb4: {  	_ =	swait.ge [sflag:s29], $0x1  }
0xb5: {  	[sflag:s29] =	ssyncadd.s32 $0xFFFFFFFF  }
0xb6: {  	_ =	strace $0x90000051  }
0xb7: {  	_ =	sfence  }
0xb8: {  	s30 =	sld [smem:$0x0];
	_ =	sdelay $0x2  }
0xb9: {  	s31 =	sshll.u32 s1, $0xD;
	s1 =	sshrl.u32 s1, $0x2  }
0xba: {  	s3 =	sand.u32 $0x4000, s31;
	s1 =	sadd.s32 s1, s30  }
0xbb: {  	s0 =	sor.u32 s3, s0;
	s1 =	sshll.u32 s1, $0x11  }
0xbc: {  	s0 =	sor.u32 s1, s0  }
0xbd: {  	s0 =	sadd.s32 $0x8F2B, s0  }
0xbe: {  	[sflag:s0] =	ssyncadd.remote.s32 $0x1  }
0xbf: {  	_ =	sfence.sel $0xFFFF  }
0xc0: {  	[dreg:$0x0] =	wrdreg $0xFFFFFFFF;
	(pc) =	sbr.abs _section_cstart, $3  }
0xc1: {  	[dreg:$0x1] =	wrdreg $0xFFFFFFFF  }
0xc2: {  	_ =	task.clear_ibuf [dreg:s7], $0x2FFFF;
	_ =	strace $0x9FFFFFFF  }
0xc3: {  	(tm) =	ssettm $0x7FFFFFFF  }
tec
execute0_lowered:
.L_overlay_start_1:
0x0: {  	(tag) =	ssettag $0x1  }
0x1: {  	s5 =	rddreg [dreg:$0x0];
	s1 =	srdreg.scid  }
0x2: {  	s0 =	stileid.u32;
	s10 =	rddreg [dreg:$0x1]  }
0x3: {  	s2 =	rddreg [dreg:$0x2];
	s3 =	simm.s32 $0x0;
	s15 =	simm.s32 $0x80  }
0x4: {  	s16 =	simm.s32 $0x0;
	s4 =	sand.u32 $0x1, s1;
	s6 =	smul.u32 $0xC3, s0  }
0x5: {  	s1 =	rddreg [dreg:$0x3];
	s8 =	smul.u32 $0x186A0, s0;
	s9 =	smin.u32 s0, $0x5  }
0x6: {  	[smem:$0x7FF] =	sst s3;
	s30 =	sshll.u32 s0, $0x6;
	s7 =	smul.u32 $0xC35, s4  }
0x7: {  	p0 =	slt.u32 s0, $0x5;
	s25 =	smul.u32 $0x186A00, s4;
	s28 =	ssub.s32 $0x2, s4  }
0x8: {  	_ =	strace $0x80000050;
	s4 =	sadd.s32 $0x3600, s5;
	s29 =	sshrl.u32 s28, $0x1  }
0x9: {  	s14 =	sadd.s32 s8, s2;
	s6 =	sadd.s32 s6, s7;
	s7 =	sadd.s32 s8, s25  }
0xa: {  	s13 =	ssub.s32 s28, s29;
	s9 =	sadd.s32 s9, s6;
	s26 =	sshrl.u32 s7, $0x3  }
0xb: {  	s8 =	smax.u32 s13, $0x1;
	s13 =	simm.s32 $0x186A0;
	s6 =	sshll.u32 s9, $0x9  }
0xc: {  	s12 =	sadd.s32 s26, s5;
	s31 =	sshll.u32 s9, $0x4;
	s11 =	sadd.s32 s6, s5  }
0xd: {  	s5 =	sor.u32 $0x1C01, s30;
	s6 =	simm.s32 $0xC4;
	s7 =	sadd.s32 $0x6800, s12  }
0xe: {  	s10 =	sadd.s32 s31, s10;
	s12 =	simm.s32 $0x1;
	s6 =	simm.s32 @!p0 $0xC3  }
0xf: {  	s9 =	sadd.s32 $0x3D4200, s11;
	s11 =	sshrl.u32 s14, $0x3;
	s14 =	simm.s32 $0x18720  }
.LBB2_1:
0x10: {  	[spmem:s11], [sflag:s5] =	dma.local [hbm:s4], $0x30D4  }
0x11: {  	_ =	swait.ge [sflag:s12], $0x30D4  }
0x12: {  	[sflag:s12] =	ssyncset.done $0x0  }
0x13: {  	[sflag:s12] =	ssyncadd.s32 $0xFFFFCF2C  }
0x14: {  	[bflag:$0x0] =	sbarrier.arrive $0xFFFF  }
0x15: {  	[tilespmem:s13], [sflag:$0x1] =	stream.linear.gather [hbm4b:s10+s3], $0x80, $0x38;
	[tilespmem:$0x19720] =	vst v63  }
0x16: {  	_ =	swait.ge [sflag:s12], $0x80  }
0x17: {  	[sflag:s12] =	ssyncset.done $0x0  }
0x18: {  	[sflag:s12] =	ssyncadd.s32 $0xFFFFFF80  }
0x19: {  	[tilespmem:s14], [sflag:$0x1] =	stream.linear.gather [hbm4b:s9+s3], $0x1000, $0x38;
	[tilespmem:$0x19720] =	vst v63  }
0x1a: {  	p0 =	sne.s32 s6, $0x1;
	_ =	swait.ge [sflag:s12], $0x1000  }
.Ltmp0:
0x1b: {  	[sflag:s12] =	ssyncset.done $0x0;
	(pc) =	sbr.rel @!p0 .LBB2_3-.Ltmp0, $4  }
0x1c: {  	[sflag:s12] =	ssyncadd.s32 $0xFFFFF000  }
0x1d: {  	[spmem:s2] =	stream.indirect.scatter.add.f32 [tilespmem:s14], [sflag:$0x1], $0x20, s13, s15, $0xb8;
	[tilespmem:$0x19720] =	vst v63  }
0x1e: {  	s17 =	sadd.s32 $0xFFFFFFFF, s6;
	_ =	swait.ge [sflag:s12], $0x1000  }
0x1f: {  	s18 =	smov.u32 s9;
	s19 =	smov.u32 s10;
	[sflag:s12] =	ssyncset.done $0x0  }
.LBB2_2:
0x20: {  	[sflag:s12] =	ssyncadd.s32 $0xFFFFF000;
	s18 =	sadd.s32 $0x200, s18;
	s19 =	sadd.s32 $0x10, s19  }
0x21: {  	[tilespmem:s13], [sflag:$0x1] =	stream.linear.gather [hbm4b:s19+s3], $0x80, $0x38;
	[tilespmem:$0x19720] =	vst v63  }
0x22: {  	p0 =	sne.s32 s17, $0x1;
	s17 =	sadd.s32 $0xFFFFFFFF, s17;
	_ =	swait.ge [sflag:s12], $0x80  }
0x23: {  	[sflag:s12] =	ssyncset.done $0x0  }
0x24: {  	[sflag:s12] =	ssyncadd.s32 $0xFFFFFF80  }
0x25: {  	[tilespmem:s14], [sflag:$0x1] =	stream.linear.gather [hbm4b:s18+s3], $0x1000, $0x38;
	[tilespmem:$0x19720] =	vst v63  }
0x26: {  	_ =	swait.ge [sflag:s12], $0x1000  }
.Ltmp1:
0x27: {  	[sflag:s12] =	ssyncset.done $0x0;
	(pc) =	sbr.rel @p0 .LBB2_2-.Ltmp1, $4  }
0x28: {  	[sflag:s12] =	ssyncadd.s32 $0xFFFFF000  }
0x29: {  	[spmem:s2] =	stream.indirect.scatter.add.f32 [tilespmem:s14], [sflag:$0x1], $0x20, s13, s15, $0xb8;
	[tilespmem:$0x19720] =	vst v63  }
0x2a: {  	_ =	swait.ge [sflag:s12], $0x1000  }
0x2b: {  	[sflag:s12] =	ssyncset.done $0x0  }
.LBB2_3:
0x2c: {  	s16 =	sadd.s32 $0x1, s16  }
0x2d: {  	[sflag:s12] =	ssyncadd.s32 $0xFFFFF000;
	p0 =	sne.s32 s16, s8  }
.Ltmp2:
0x2e: {  	[bflag:$0x0] =	sbarrier.arrive $0xFFFF;
	(pc) =	sbr.rel @p0 .LBB2_1-.Ltmp2, $4  }
0x2f: {  	[hbm:s7], [sflag:s5] =	dma.local [spmem:s11], $0x30D4  }
0x30: {  	_ =	swait.ge [sflag:s12], $0x30D4  }
0x31: {  	[sflag:s12] =	ssyncset.done $0x0  }
0x32: {  	[sflag:s12] =	ssyncadd.s32 $0xFFFFCF2C  }
0x33: {  	_ =	sfence.sel $0x180000  }
0x34: {  	[bflag:$0x0] =	sbarrier.arrive $0xFFFF  }
0x35: {  	p0 =	sne.s32 s0, $0x0;
	_ =	strace $0x90000050  }
0x36: {  	s0 =	sadd.s32 @!p0 $0x100000, s1;
	[bflag:$0x2] =	sbarrier.arrive $0xFFFF  }
0x37: {  	[sflag:s0] =	ssyncadd.tile.s32 @!p0 $0x1;
	_ =	shalt  }
.Lfunc_end2:
_tile_overlayer_lowered:
.L_overlay_start_2:
0x38: {  	(tag) =	ssettag $0x2  }
0x39: {  	s0 =	rddreg [dreg:$0x0];
	s2 =	stileid.u32  }
0x3a: {  	s1 =	rddreg [dreg:$0x1];
	p0 =	sne.s32 s2, $0x0  }
0x3b: {  	s3 =	rddreg [dreg:$0x2];
	[bflag:$0x3] =	sbarrier.arrive $0xFFFF;
	s2 =	simm.s32 @!p0 $0x1C01  }
0x3c: {  	[timem:s3], [sflag:s2] =	dma.local @!p0 [hbm:s0], s1  }
0x3d: {  	s0 =	simm.s32 @!p0 $0x1  }
0x3e: {  	_ =	swait.ge @!p0 [sflag:s0], s1  }
0x3f: {  	s1 =	ssub.s32 @!p0 $0x0, s1;
	[sflag:s0] =	ssyncset.done @!p0 $0x0  }
0x40: {  	[sflag:s0] =	ssyncadd.s32 @!p0 s1  }
0x41: {  	[bflag:$0x3] =	sbarrier.arrive $0xFFFF  }
0x42: {  	_ =	shalt  }

</sc_bundles>
